<compile_context>
chip_gen: v7x
topology: tpu7x:2x2x1
jax: 0.10.2.dev20260603
libtpu: 0.0.44.dev20260713+nightly
codegen_flags: <defaults>
</compile_context>

<pallas_src>
import functools

import jax
import jax.numpy as jnp
from jax import lax
from jax.experimental import pallas as pl
from jax.experimental.pallas import tpu as pltpu
from jax.experimental.pallas import tpu_sc as plsc

N = 10000
E = 320000
D = 128
F1 = 64
C = 40
F2 = 48

NP = 10240
NC = 2
NS = 16
NW = NC * NS
CH = 128
TCH = E // CH
TCHP = 2504
NCH = 88
SLC = NP // NS
RING = {F1: (4, 4), F2: (6, 6)}

BR = 2048
GRID = NP // BR

_MESH = plsc.VectorSubcoreMesh(core_axis_name="c", subcore_axis_name="s")



@functools.partial(
    pl.kernel,
    out_type=jax.ShapeDtypeStruct((NC, NP), jnp.float32),
    mesh=_MESH,
    compiler_params=pltpu.CompilerParams(use_tc_tiling_on_sc=False),
    scratch_types=[
        pltpu.VMEM((NCH, CH), jnp.int32),
        pltpu.VMEM((CH,), jnp.float32),
        pltpu.VMEM_SHARED((NP,), jnp.float32),
    ],
)
def _sc_degree(col_hbm, zero1_hbm, out_hbm, colv, ones_v, accum):
    cid = lax.axis_index("c")
    sid = lax.axis_index("s")
    wid = sid * NC + cid
    start = ((wid * TCH) // (NW * 8)) * 8
    nxt_s = (((wid + 1) * TCH) // (NW * 8)) * 8
    cnt = jnp.where(wid == NW - 1, TCH, nxt_s) - start
    for i in range(CH // 16):
        ones_v[pl.ds(i * 16, 16)] = jnp.ones((16,), jnp.float32)
    pltpu.sync_copy(zero1_hbm.at[pl.ds(sid * SLC, SLC)],
                    accum.at[pl.ds(sid * SLC, SLC)])
    pltpu.sync_copy(col_hbm.at[pl.ds(start, NCH)], colv)
    plsc.subcore_barrier()

    def body(ch, carry):
        pltpu.sync_copy(ones_v, accum.at[colv.at[ch]], add=True)
        return carry

    lax.fori_loop(0, cnt, body, 0)
    plsc.subcore_barrier()
    pltpu.sync_copy(accum.at[pl.ds(sid * SLC, SLC)],
                    out_hbm.at[cid, pl.ds(sid * SLC, SLC)])


def _make_sc_gather_add(F):
    NG, NSC = RING[F]
    NBUF = NG + NSC

    @functools.partial(
        pl.kernel,
        out_type=jax.ShapeDtypeStruct((NC, NP, F), jnp.float32),
        mesh=_MESH,
        compiler_params=pltpu.CompilerParams(use_tc_tiling_on_sc=False),
        scratch_types=[
            pltpu.VMEM((NCH, CH), jnp.int32),
            pltpu.VMEM((NCH, CH), jnp.int32),
            pltpu.VMEM((NBUF, CH, F), jnp.float32),
            pltpu.VMEM_SHARED((NP, F), jnp.float32),
            pltpu.SemaphoreType.DMA((NBUF,)),
            pltpu.SemaphoreType.DMA((NBUF,)),
        ],
    )
    def sc_gather_add(table_hbm, row_hbm, col_hbm, zero2_hbm, out_hbm,
                      rowv, colv, rows_v, accum, gsem, ssem):
        cid = lax.axis_index("c")
        sid = lax.axis_index("s")
        wid = sid * NC + cid
        start = ((wid * TCH) // (NW * 8)) * 8
        nxt_s = (((wid + 1) * TCH) // (NW * 8)) * 8
        cnt = jnp.where(wid == NW - 1, TCH, nxt_s) - start
        pltpu.sync_copy(zero2_hbm.at[pl.ds(sid * SLC, SLC)],
                        accum.at[pl.ds(sid * SLC, SLC)])
        pltpu.sync_copy(row_hbm.at[pl.ds(start, NCH)], rowv)
        pltpu.sync_copy(col_hbm.at[pl.ds(start, NCH)], colv)
        plsc.subcore_barrier()

        for b in range(NG):
            pltpu.async_copy(table_hbm.at[rowv.at[b]], rows_v.at[b],
                             gsem.at[b])

        def body(ch, carry):
            buf = lax.rem(ch, NBUF)
            pltpu.make_async_copy(table_hbm.at[rowv.at[ch]],
                                  rows_v.at[buf], gsem.at[buf]).wait()
            pltpu.async_copy(rows_v.at[buf], accum.at[colv.at[ch]],
                             ssem.at[buf], add=True)
            prv = ch - NSC
            nxt = ch + NG

            @pl.when(nxt < cnt)
            def _():
                pbuf = lax.rem(nxt, NBUF)

                @pl.when(prv >= 0)
                def _():
                    pltpu.make_async_copy(rows_v.at[pbuf],
                                          accum.at[colv.at[ch]],
                                          ssem.at[pbuf]).wait()

                pltpu.async_copy(table_hbm.at[rowv.at[nxt]],
                                 rows_v.at[pbuf], gsem.at[pbuf])

            return carry

        lax.fori_loop(0, cnt, body, 0)

        def drain(k, carry):
            pltpu.make_async_copy(rows_v.at[lax.rem(k, NBUF)],
                                  accum.at[colv.at[0]],
                                  ssem.at[lax.rem(k, NBUF)]).wait()
            return carry

        lax.fori_loop(jnp.maximum(0, cnt - NSC - NG), cnt, drain, 0)
        plsc.subcore_barrier()
        pltpu.sync_copy(accum.at[pl.ds(sid * SLC, SLC)],
                        out_hbm.at[cid, pl.ds(sid * SLC, SLC)])

    return sc_gather_add


_sc_gather_add_f1 = _make_sc_gather_add(F1)
_sc_gather_add_f2 = _make_sc_gather_add(F2)



def _dis(deg_ref):
    return lax.rsqrt(deg_ref[0] + deg_ref[1] + 1.0)[:, None]


def _t1_body(deg_ref, x_ref, w_ref, o_ref):
    m = jnp.dot(x_ref[...], w_ref[...], preferred_element_type=jnp.float32)
    o_ref[...] = m * _dis(deg_ref)


def _t2_body(deg_ref, p_ref, h_ref, b_ref, w_ref, o_ref):
    dis = _dis(deg_ref)
    x1 = jnp.maximum((p_ref[0] + p_ref[1] + h_ref[...]) * dis + b_ref[...], 0.0)
    o_ref[...] = jnp.dot(x1, w_ref[...], preferred_element_type=jnp.float32) * dis


def _t3_body(deg_ref, p_ref, h_ref, b_ref, o_ref):
    v = (p_ref[0] + p_ref[1] + h_ref[...]) * _dis(deg_ref) + b_ref[...]
    o_ref[...] = v[:, :C]


def _tc_h1(degp, xp, w1):
    return pl.pallas_call(
        _t1_body,
        grid=(GRID,),
        in_specs=[
            pl.BlockSpec((NC, BR), lambda i: (0, i)),
            pl.BlockSpec((BR, D), lambda i: (i, 0)),
            pl.BlockSpec((D, F1), lambda i: (0, 0)),
        ],
        out_specs=pl.BlockSpec((BR, F1), lambda i: (i, 0)),
        out_shape=jax.ShapeDtypeStruct((NP, F1), jnp.float32),
    )(degp, xp, w1)


def _tc_h2(degp, p1, h1, b1, w2p):
    return pl.pallas_call(
        _t2_body,
        grid=(GRID,),
        in_specs=[
            pl.BlockSpec((NC, BR), lambda i: (0, i)),
            pl.BlockSpec((NC, BR, F1), lambda i: (0, i, 0)),
            pl.BlockSpec((BR, F1), lambda i: (i, 0)),
            pl.BlockSpec((1, F1), lambda i: (0, 0)),
            pl.BlockSpec((F1, F2), lambda i: (0, 0)),
        ],
        out_specs=pl.BlockSpec((BR, F2), lambda i: (i, 0)),
        out_shape=jax.ShapeDtypeStruct((NP, F2), jnp.float32),
    )(degp, p1, h1, b1, w2p)


def _tc_out(degp, p2, h2, b2p):
    return pl.pallas_call(
        _t3_body,
        grid=(GRID,),
        in_specs=[
            pl.BlockSpec((NC, BR), lambda i: (0, i)),
            pl.BlockSpec((NC, BR, F2), lambda i: (0, i, 0)),
            pl.BlockSpec((BR, F2), lambda i: (i, 0)),
            pl.BlockSpec((1, F2), lambda i: (0, 0)),
        ],
        out_specs=pl.BlockSpec((BR, C), lambda i: (i, 0)),
        out_shape=jax.ShapeDtypeStruct((N, C), jnp.float32),
    )(degp, p2, h2, b2p)


def _dt_body(x_ref, o_ref):
    xr = x_ref[...].reshape(2, TCH, CH)
    o_ref[...] = jnp.concatenate(
        [xr, jnp.zeros((2, TCHP - TCH, CH), jnp.int32)], axis=1)


def _tc_detile(edge_idx):
    return pl.pallas_call(
        _dt_body,
        out_shape=jax.ShapeDtypeStruct((2, TCHP, CH), jnp.int32),
    )(edge_idx)



def kernel(features, edge_idx, W1, b1, W2, b2):
    ec = _tc_detile(edge_idx)
    rowp = ec[0]
    colp = ec[1]

    xp = jnp.pad(features, ((0, NP - N), (0, 0)))
    w2p = jnp.pad(W2, ((0, 0), (0, F2 - C)))
    b1r = b1.reshape(1, F1)
    b2r = jnp.pad(b2, (0, F2 - C)).reshape(1, F2)
    z1 = jnp.zeros((NP,), jnp.float32)
    z64 = jnp.zeros((NP, F1), jnp.float32)
    z48 = jnp.zeros((NP, F2), jnp.float32)

    degp = _sc_degree(colp, z1)
    h1 = _tc_h1(degp, xp, W1)
    p1 = _sc_gather_add_f1(h1, rowp, colp, z64)
    h2 = _tc_h2(degp, p1, h1, b1r, w2p)
    p2 = _sc_gather_add_f2(h2, rowp, colp, z48)
    return _tc_out(degp, p2, h2, b2r)

# --- scband reference (transcript-rebuilt; emitter-appended) ---
"""Pipeline reference for scband-gcn-31104153158278 (READ-ONLY COPY).

The authoritative reference and input builder live on the scoring server;
editing this copy changes nothing except your own understanding.
"""

import jax, jax.numpy as jnp
import numpy as np

N = 10000
E = 320000
D = 128
H = 64
C = 40


def glorot(key, shape):
    fan_in, fan_out = shape[0], shape[1]
    limit = float(np.sqrt(6.0 / (fan_in + fan_out)))
    return jax.random.uniform(key, shape, minval=-limit, maxval=limit, dtype=jnp.float32)


def setup_inputs(seed: int = 0):
    key = jax.random.key(seed)
    k1, k2, k3, k4 = jax.random.split(key, 4)
    features = jax.random.normal(k1, (N, D), dtype=jnp.float32)
    edge_idx = jax.random.randint(k2, (2, E), 0, N, dtype=jnp.int32)
    W1 = glorot(k3, (D, H))
    b1 = jnp.zeros((H,), dtype=jnp.float32)
    W2 = glorot(k4, (H, C))
    b2 = jnp.zeros((C,), dtype=jnp.float32)
    return {"features": features, "edge_idx": edge_idx, "W1": W1, "b1": b1, "W2": W2, "b2": b2}


def gcn_norm(edge_idx, num_nodes):
    row, col = edge_idx[0], edge_idx[1]
    loop = jnp.arange(num_nodes, dtype=edge_idx.dtype)
    row = jnp.concatenate([row, loop])
    col = jnp.concatenate([col, loop])
    ew = jnp.ones(row.shape[0], dtype=jnp.float32)
    deg = jax.ops.segment_sum(ew, col, num_segments=num_nodes)
    deg_inv_sqrt = jnp.where(deg > 0, 1.0 / jnp.sqrt(deg), 0.0)
    norm = deg_inv_sqrt[row] * ew * deg_inv_sqrt[col]
    return row, col, norm


def gcn_conv(x, row, col, norm, W, b):
    h = x @ W
    msg = h[row] * norm[:, None]
    out = jax.ops.segment_sum(msg, col, num_segments=x.shape[0])
    return out + b


def reference(features, edge_idx, W1, b1, W2, b2):
    # GCN with hidden_dimensions=[64]: GCNConv -> ReLU -> Dropout(eval, identity) -> GCNConv
    row, col, norm = gcn_norm(edge_idx, features.shape[0])
    x = gcn_conv(features, row, col, norm, W1, b1)
    x = jax.nn.relu(x)
    x = gcn_conv(x, row, col, norm, W2, b2)
    return x

if __name__ == "__main__":
    import jax
    _d = setup_inputs()
    print(jax.jit(kernel)(*tuple(_d.values())))

</pallas_src>

<mosaic_0001>
#map = affine_map<(d0, d1) -> (0, 0)>
#map1 = affine_map<(d0, d1) -> (0, 0, 0)>
module attributes {stable_mosaic.version = 14 : i64} {
  func.func @sc_gather_add(%arg0: i32, %arg1: i32, %arg2: memref<10240x48xf32, #tpu.memory_space<hbm>>, %arg3: memref<2504x128xi32, #tpu.memory_space<hbm>>, %arg4: memref<2504x128xi32, #tpu.memory_space<hbm>>, %arg5: memref<10240x48xf32, #tpu.memory_space<hbm>>, %arg6: memref<2x10240x48xf32, #tpu.memory_space<hbm>>, %arg7: memref<88x128xi32, #tpu.memory_space<vmem>>, %arg8: memref<88x128xi32, #tpu.memory_space<vmem>>, %arg9: memref<12x128x48xf32, #tpu.memory_space<vmem>>, %arg10: memref<10240x48xf32, #tpu.memory_space<vmem_shared>>, %arg11: memref<12x!tpu.dma_semaphore, #tpu.memory_space<semaphore_mem>>, %arg12: memref<12x!tpu.dma_semaphore, #tpu.memory_space<semaphore_mem>>) attributes {dimension_semantics = [#tpu.dimension_semantics<core_parallel>, #tpu.dimension_semantics<subcore_parallel>], iteration_bounds = array<i64: 2, 16>, scalar_prefetch = 0 : i64, scratch_operands = 6 : i64, tpu.core_type = #tpu.core_type<sc_vector_subcore>, window_params = [{transform_indices = #map}, {transform_indices = #map}, {transform_indices = #map}, {transform_indices = #map}, {transform_indices = #map1}]} {
    %mul3A = arith.constant 2 : i32
    %mul3A_0 = arith.muli %arg1, %mul3A : i32
    %add3A = arith.addi %mul3A_0, %arg0 : i32
    %mul3A_1 = arith.constant 2500 : i32
    %mul3A_2 = arith.muli %add3A, %mul3A_1 : i32
    %jit3A = arith.constant 256 : i32
    %div3A = arith.divsi %mul3A_2, %jit3A : i32
    %sign3A = arith.constant 0 : i32
    %sign3A_3 = arith.cmpi sgt, %mul3A_2, %sign3A : i32
    %sign3A_4 = arith.extui %sign3A_3 : i1 to i32
    %sign3A_5 = arith.constant 0 : i32
    %sign3A_6 = arith.cmpi slt, %mul3A_2, %sign3A_5 : i32
    %sign3A_7 = arith.extui %sign3A_6 : i1 to i32
    %sign3A_8 = arith.subi %sign3A_4, %sign3A_7 : i32
    %sign3A_9 = arith.constant 0 : i32
    %sign3A_10 = arith.cmpi sgt, %jit3A, %sign3A_9 : i32
    %sign3A_11 = arith.extui %sign3A_10 : i1 to i32
    %sign3A_12 = arith.constant 0 : i32
    %sign3A_13 = arith.cmpi slt, %jit3A, %sign3A_12 : i32
    %sign3A_14 = arith.extui %sign3A_13 : i1 to i32
    %sign3A_15 = arith.subi %sign3A_11, %sign3A_14 : i32
    %ne3A = arith.cmpi ne, %sign3A_8, %sign3A_15 : i32
    %rem3A = arith.remsi %mul3A_2, %jit3A : i32
    %ne3A_16 = arith.constant 0 : i32
    %ne3A_17 = arith.cmpi ne, %rem3A, %ne3A_16 : i32
    %and3A = arith.andi %ne3A, %ne3A_17 : i1
    %sub3A = arith.constant 1 : i32
    %sub3A_18 = arith.subi %div3A, %sub3A : i32
    %select_n3A = arith.select %and3A, %sub3A_18, %div3A : i32
    %mul3A_19 = arith.constant 8 : i32
    %mul3A_20 = arith.muli %select_n3A, %mul3A_19 : i32
    %add3A_21 = arith.constant 1 : i32
    %add3A_22 = arith.addi %add3A, %add3A_21 : i32
    %mul3A_23 = arith.constant 2500 : i32
    %mul3A_24 = arith.muli %add3A_22, %mul3A_23 : i32
    %jit3A_25 = arith.constant 256 : i32
    %div3A_26 = arith.divsi %mul3A_24, %jit3A_25 : i32
    %sign3A_27 = arith.constant 0 : i32
    %sign3A_28 = arith.cmpi sgt, %mul3A_24, %sign3A_27 : i32
    %sign3A_29 = arith.extui %sign3A_28 : i1 to i32
    %sign3A_30 = arith.constant 0 : i32
    %sign3A_31 = arith.cmpi slt, %mul3A_24, %sign3A_30 : i32
    %sign3A_32 = arith.extui %sign3A_31 : i1 to i32
    %sign3A_33 = arith.subi %sign3A_29, %sign3A_32 : i32
    %sign3A_34 = arith.constant 0 : i32
    %sign3A_35 = arith.cmpi sgt, %jit3A_25, %sign3A_34 : i32
    %sign3A_36 = arith.extui %sign3A_35 : i1 to i32
    %sign3A_37 = arith.constant 0 : i32
    %sign3A_38 = arith.cmpi slt, %jit3A_25, %sign3A_37 : i32
    %sign3A_39 = arith.extui %sign3A_38 : i1 to i32
    %sign3A_40 = arith.subi %sign3A_36, %sign3A_39 : i32
    %ne3A_41 = arith.cmpi ne, %sign3A_33, %sign3A_40 : i32
    %rem3A_42 = arith.remsi %mul3A_24, %jit3A_25 : i32
    %ne3A_43 = arith.constant 0 : i32
    %ne3A_44 = arith.cmpi ne, %rem3A_42, %ne3A_43 : i32
    %and3A_45 = arith.andi %ne3A_41, %ne3A_44 : i1
    %sub3A_46 = arith.constant 1 : i32
    %sub3A_47 = arith.subi %div3A_26, %sub3A_46 : i32
    %select_n3A_48 = arith.select %and3A_45, %sub3A_47, %div3A_26 : i32
    %mul3A_49 = arith.constant 8 : i32
    %mul3A_50 = arith.muli %select_n3A_48, %mul3A_49 : i32
    %eq3A = arith.constant 31 : i32
    %eq3A_51 = arith.cmpi eq, %add3A, %eq3A : i32
    %jit3A_52 = arith.constant 2500 : i32
    %select_n3A_53 = arith.select %eq3A_51, %jit3A_52, %mul3A_50 : i32
    %sub3A_54 = arith.subi %select_n3A_53, %mul3A_20 : i32
    %mul3A_55 = arith.constant 640 : i32
    %mul3A_56 = arith.muli %arg1, %mul3A_55 : i32
    %mul3A_57 = arith.constant 640 : i32
    %mul3A_58 = arith.muli %arg1, %mul3A_57 : i32
    "tpu.region"() ({
      %run_scoped3A = tpu.sem_alloc : memref<!tpu.dma_semaphore, #tpu.memory_space<semaphore_mem>>
      %dma_start3A_176 = arith.constant 0 : i32
      %dma_start3A_177 = tpu.memref_slice %arg10[%mul3A_58, %dma_start3A_176] : memref<10240x48xf32, #tpu.memory_space<vmem_shared>> -> memref<640x48xf32, #tpu.memory_space<vmem_shared>>
      %dma_start3A_178 = arith.constant 0 : i32
      %dma_start3A_179 = tpu.memref_slice %arg5[%mul3A_56, %dma_start3A_178] : memref<10240x48xf32, #tpu.memory_space<hbm>> -> memref<640x48xf32, #tpu.memory_space<hbm>>
      tpu.enqueue_dma source(%dma_start3A_179 : memref<640x48xf32, #tpu.memory_space<hbm>>) target(%dma_start3A_177 : memref<640x48xf32, #tpu.memory_space<vmem_shared>>) target_semaphore(%run_scoped3A : memref<!tpu.dma_semaphore, #tpu.memory_space<semaphore_mem>>)
      %dma_wait3A = arith.constant 0 : i32
      %dma_wait3A_180 = tpu.memref_slice %arg10[%mul3A_58, %dma_wait3A] : memref<10240x48xf32, #tpu.memory_space<vmem_shared>> -> memref<640x48xf32, #tpu.memory_space<vmem_shared>>
      %dma_wait3A_181 = arith.constant 0 : i32
      %dma_wait3A_182 = tpu.memref_slice %arg5[%mul3A_56, %dma_wait3A_181] : memref<10240x48xf32, #tpu.memory_space<hbm>> -> memref<640x48xf32, #tpu.memory_space<hbm>>
      tpu.wait_dma2 semaphore(%run_scoped3A : memref<!tpu.dma_semaphore, #tpu.memory_space<semaphore_mem>>) src(%dma_wait3A_182 : memref<640x48xf32, #tpu.memory_space<hbm>>) dst(%dma_wait3A_180 : memref<640x48xf32, #tpu.memory_space<vmem_shared>>)
      tpu.yield
    }) : () -> ()
    "tpu.region"() ({
      %run_scoped3A = tpu.sem_alloc : memref<!tpu.dma_semaphore, #tpu.memory_space<semaphore_mem>>
      %dma_start3A_176 = arith.constant 0 : i32
      %dma_start3A_177 = tpu.memref_slice %arg3[%mul3A_20, %dma_start3A_176] : memref<2504x128xi32, #tpu.memory_space<hbm>> -> memref<88x128xi32, #tpu.memory_space<hbm>>
      %dma_start3A_178 = arith.constant 0 : i32
      %dma_start3A_179 = tpu.memref_slice %arg3[%mul3A_20, %dma_start3A_178] : memref<2504x128xi32, #tpu.memory_space<hbm>> -> memref<88x128xi32, #tpu.memory_space<hbm>>
      tpu.enqueue_dma source(%dma_start3A_179 : memref<88x128xi32, #tpu.memory_space<hbm>>) target(%arg7 : memref<88x128xi32, #tpu.memory_space<vmem>>) target_semaphore(%run_scoped3A : memref<!tpu.dma_semaphore, #tpu.memory_space<semaphore_mem>>)
      %dma_wait3A = arith.constant 0 : i32
      %dma_wait3A_180 = tpu.memref_slice %arg3[%mul3A_20, %dma_wait3A] : memref<2504x128xi32, #tpu.memory_space<hbm>> -> memref<88x128xi32, #tpu.memory_space<hbm>>
      %dma_wait3A_181 = arith.constant 0 : i32
      %dma_wait3A_182 = tpu.memref_slice %arg3[%mul3A_20, %dma_wait3A_181] : memref<2504x128xi32, #tpu.memory_space<hbm>> -> memref<88x128xi32, #tpu.memory_space<hbm>>
      tpu.wait_dma2 semaphore(%run_scoped3A : memref<!tpu.dma_semaphore, #tpu.memory_space<semaphore_mem>>) src(%dma_wait3A_182 : memref<88x128xi32, #tpu.memory_space<hbm>>) dst(%arg7 : memref<88x128xi32, #tpu.memory_space<vmem>>)
      tpu.yield
    }) : () -> ()
    "tpu.region"() ({
      %run_scoped3A = tpu.sem_alloc : memref<!tpu.dma_semaphore, #tpu.memory_space<semaphore_mem>>
      %dma_start3A_176 = arith.constant 0 : i32
      %dma_start3A_177 = tpu.memref_slice %arg4[%mul3A_20, %dma_start3A_176] : memref<2504x128xi32, #tpu.memory_space<hbm>> -> memref<88x128xi32, #tpu.memory_space<hbm>>
      %dma_start3A_178 = arith.constant 0 : i32
      %dma_start3A_179 = tpu.memref_slice %arg4[%mul3A_20, %dma_start3A_178] : memref<2504x128xi32, #tpu.memory_space<hbm>> -> memref<88x128xi32, #tpu.memory_space<hbm>>
      tpu.enqueue_dma source(%dma_start3A_179 : memref<88x128xi32, #tpu.memory_space<hbm>>) target(%arg8 : memref<88x128xi32, #tpu.memory_space<vmem>>) target_semaphore(%run_scoped3A : memref<!tpu.dma_semaphore, #tpu.memory_space<semaphore_mem>>)
      %dma_wait3A = arith.constant 0 : i32
      %dma_wait3A_180 = tpu.memref_slice %arg4[%mul3A_20, %dma_wait3A] : memref<2504x128xi32, #tpu.memory_space<hbm>> -> memref<88x128xi32, #tpu.memory_space<hbm>>
      %dma_wait3A_181 = arith.constant 0 : i32
      %dma_wait3A_182 = tpu.memref_slice %arg4[%mul3A_20, %dma_wait3A_181] : memref<2504x128xi32, #tpu.memory_space<hbm>> -> memref<88x128xi32, #tpu.memory_space<hbm>>
      tpu.wait_dma2 semaphore(%run_scoped3A : memref<!tpu.dma_semaphore, #tpu.memory_space<semaphore_mem>>) src(%dma_wait3A_182 : memref<88x128xi32, #tpu.memory_space<hbm>>) dst(%arg8 : memref<88x128xi32, #tpu.memory_space<vmem>>)
      tpu.yield
    }) : () -> ()
    %barrier3A = arith.constant 0 : index
    tpu.barrier barrier_id(%barrier3A)
    %dma_start3A = arith.constant 0 : i32
    %dma_start3A_59 = arith.constant 0 : i32
    %dma_start3A_60 = arith.constant 0 : i32
    %dma_start3A_61 = arith.constant 0 : i32
    %dma_start3A_62 = arith.constant 0 : i32
    %dma_start3A_63 = tpu.memref_slice %arg9[%dma_start3A_59, %dma_start3A_61, %dma_start3A_62] : memref<12x128x48xf32, #tpu.memory_space<vmem>> -> memref<1x128x48xf32, #tpu.memory_space<vmem>>
    %dma_start3A_64 = tpu.memref_squeeze %dma_start3A_63 : memref<1x128x48xf32, #tpu.memory_space<vmem>> -> memref<128x48xf32, #tpu.memory_space<vmem>>
    %dma_start3A_65 = arith.constant 0 : i32
    %dma_start3A_66 = tpu.memref_slice %arg7[%dma_start3A, %dma_start3A_65] : memref<88x128xi32, #tpu.memory_space<vmem>> -> memref<1x128xi32, #tpu.memory_space<vmem>>
    %dma_start3A_67 = tpu.memref_squeeze %dma_start3A_66 : memref<1x128xi32, #tpu.memory_space<vmem>> -> memref<128xi32, #tpu.memory_space<vmem>>
    %dma_start3A_68 = arith.constant 0 : i32
    %dma_start3A_69 = arith.constant 0 : i32
    %dma_start3A_70 = tpu.memref_slice %arg2[%dma_start3A_68, %dma_start3A_69] : memref<10240x48xf32, #tpu.memory_space<hbm>> -> memref<10240x48xf32, #tpu.memory_space<hbm>>
    %dma_start3A_71 = tpu.memref_slice %arg11[%dma_start3A_60] : memref<12x!tpu.dma_semaphore, #tpu.memory_space<semaphore_mem>> -> memref<1x!tpu.dma_semaphore, #tpu.memory_space<semaphore_mem>>
    %dma_start3A_72 = tpu.memref_squeeze %dma_start3A_71 : memref<1x!tpu.dma_semaphore, #tpu.memory_space<semaphore_mem>> -> memref<!tpu.dma_semaphore, #tpu.memory_space<semaphore_mem>>
    tpu.enqueue_indirect_dma source(%dma_start3A_70 : memref<10240x48xf32, #tpu.memory_space<hbm>>) target(%dma_start3A_64 : memref<128x48xf32, #tpu.memory_space<vmem>>) offsets(%dma_start3A_67 : memref<128xi32, #tpu.memory_space<vmem>>) semaphore(%dma_start3A_72 : memref<!tpu.dma_semaphore, #tpu.memory_space<semaphore_mem>>)
    %dma_start3A_73 = arith.constant 1 : i32
    %dma_start3A_74 = arith.constant 1 : i32
    %dma_start3A_75 = arith.constant 1 : i32
    %dma_start3A_76 = arith.constant 0 : i32
    %dma_start3A_77 = arith.constant 0 : i32
    %dma_start3A_78 = tpu.memref_slice %arg9[%dma_start3A_74, %dma_start3A_76, %dma_start3A_77] : memref<12x128x48xf32, #tpu.memory_space<vmem>> -> memref<1x128x48xf32, #tpu.memory_space<vmem>>
    %dma_start3A_79 = tpu.memref_squeeze %dma_start3A_78 : memref<1x128x48xf32, #tpu.memory_space<vmem>> -> memref<128x48xf32, #tpu.memory_space<vmem>>
    %dma_start3A_80 = arith.constant 0 : i32
    %dma_start3A_81 = tpu.memref_slice %arg7[%dma_start3A_73, %dma_start3A_80] : memref<88x128xi32, #tpu.memory_space<vmem>> -> memref<1x128xi32, #tpu.memory_space<vmem>>
    %dma_start3A_82 = tpu.memref_squeeze %dma_start3A_81 : memref<1x128xi32, #tpu.memory_space<vmem>> -> memref<128xi32, #tpu.memory_space<vmem>>
    %dma_start3A_83 = arith.constant 0 : i32
    %dma_start3A_84 = arith.constant 0 : i32
    %dma_start3A_85 = tpu.memref_slice %arg2[%dma_start3A_83, %dma_start3A_84] : memref<10240x48xf32, #tpu.memory_space<hbm>> -> memref<10240x48xf32, #tpu.memory_space<hbm>>
    %dma_start3A_86 = tpu.memref_slice %arg11[%dma_start3A_75] : memref<12x!tpu.dma_semaphore, #tpu.memory_space<semaphore_mem>> -> memref<1x!tpu.dma_semaphore, #tpu.memory_space<semaphore_mem>>
    %dma_start3A_87 = tpu.memref_squeeze %dma_start3A_86 : memref<1x!tpu.dma_semaphore, #tpu.memory_space<semaphore_mem>> -> memref<!tpu.dma_semaphore, #tpu.memory_space<semaphore_mem>>
    tpu.enqueue_indirect_dma source(%dma_start3A_85 : memref<10240x48xf32, #tpu.memory_space<hbm>>) target(%dma_start3A_79 : memref<128x48xf32, #tpu.memory_space<vmem>>) offsets(%dma_start3A_82 : memref<128xi32, #tpu.memory_space<vmem>>) semaphore(%dma_start3A_87 : memref<!tpu.dma_semaphore, #tpu.memory_space<semaphore_mem>>)
    %dma_start3A_88 = arith.constant 2 : i32
    %dma_start3A_89 = arith.constant 2 : i32
    %dma_start3A_90 = arith.constant 2 : i32
    %dma_start3A_91 = arith.constant 0 : i32
    %dma_start3A_92 = arith.constant 0 : i32
    %dma_start3A_93 = tpu.memref_slice %arg9[%dma_start3A_89, %dma_start3A_91, %dma_start3A_92] : memref<12x128x48xf32, #tpu.memory_space<vmem>> -> memref<1x128x48xf32, #tpu.memory_space<vmem>>
    %dma_start3A_94 = tpu.memref_squeeze %dma_start3A_93 : memref<1x128x48xf32, #tpu.memory_space<vmem>> -> memref<128x48xf32, #tpu.memory_space<vmem>>
    %dma_start3A_95 = arith.constant 0 : i32
    %dma_start3A_96 = tpu.memref_slice %arg7[%dma_start3A_88, %dma_start3A_95] : memref<88x128xi32, #tpu.memory_space<vmem>> -> memref<1x128xi32, #tpu.memory_space<vmem>>
    %dma_start3A_97 = tpu.memref_squeeze %dma_start3A_96 : memref<1x128xi32, #tpu.memory_space<vmem>> -> memref<128xi32, #tpu.memory_space<vmem>>
    %dma_start3A_98 = arith.constant 0 : i32
    %dma_start3A_99 = arith.constant 0 : i32
    %dma_start3A_100 = tpu.memref_slice %arg2[%dma_start3A_98, %dma_start3A_99] : memref<10240x48xf32, #tpu.memory_space<hbm>> -> memref<10240x48xf32, #tpu.memory_space<hbm>>
    %dma_start3A_101 = tpu.memref_slice %arg11[%dma_start3A_90] : memref<12x!tpu.dma_semaphore, #tpu.memory_space<semaphore_mem>> -> memref<1x!tpu.dma_semaphore, #tpu.memory_space<semaphore_mem>>
    %dma_start3A_102 = tpu.memref_squeeze %dma_start3A_101 : memref<1x!tpu.dma_semaphore, #tpu.memory_space<semaphore_mem>> -> memref<!tpu.dma_semaphore, #tpu.memory_space<semaphore_mem>>
    tpu.enqueue_indirect_dma source(%dma_start3A_100 : memref<10240x48xf32, #tpu.memory_space<hbm>>) target(%dma_start3A_94 : memref<128x48xf32, #tpu.memory_space<vmem>>) offsets(%dma_start3A_97 : memref<128xi32, #tpu.memory_space<vmem>>) semaphore(%dma_start3A_102 : memref<!tpu.dma_semaphore, #tpu.memory_space<semaphore_mem>>)
    %dma_start3A_103 = arith.constant 3 : i32
    %dma_start3A_104 = arith.constant 3 : i32
    %dma_start3A_105 = arith.constant 3 : i32
    %dma_start3A_106 = arith.constant 0 : i32
    %dma_start3A_107 = arith.constant 0 : i32
    %dma_start3A_108 = tpu.memref_slice %arg9[%dma_start3A_104, %dma_start3A_106, %dma_start3A_107] : memref<12x128x48xf32, #tpu.memory_space<vmem>> -> memref<1x128x48xf32, #tpu.memory_space<vmem>>
    %dma_start3A_109 = tpu.memref_squeeze %dma_start3A_108 : memref<1x128x48xf32, #tpu.memory_space<vmem>> -> memref<128x48xf32, #tpu.memory_space<vmem>>
    %dma_start3A_110 = arith.constant 0 : i32
    %dma_start3A_111 = tpu.memref_slice %arg7[%dma_start3A_103, %dma_start3A_110] : memref<88x128xi32, #tpu.memory_space<vmem>> -> memref<1x128xi32, #tpu.memory_space<vmem>>
    %dma_start3A_112 = tpu.memref_squeeze %dma_start3A_111 : memref<1x128xi32, #tpu.memory_space<vmem>> -> memref<128xi32, #tpu.memory_space<vmem>>
    %dma_start3A_113 = arith.constant 0 : i32
    %dma_start3A_114 = arith.constant 0 : i32
    %dma_start3A_115 = tpu.memref_slice %arg2[%dma_start3A_113, %dma_start3A_114] : memref<10240x48xf32, #tpu.memory_space<hbm>> -> memref<10240x48xf32, #tpu.memory_space<hbm>>
    %dma_start3A_116 = tpu.memref_slice %arg11[%dma_start3A_105] : memref<12x!tpu.dma_semaphore, #tpu.memory_space<semaphore_mem>> -> memref<1x!tpu.dma_semaphore, #tpu.memory_space<semaphore_mem>>
    %dma_start3A_117 = tpu.memref_squeeze %dma_start3A_116 : memref<1x!tpu.dma_semaphore, #tpu.memory_space<semaphore_mem>> -> memref<!tpu.dma_semaphore, #tpu.memory_space<semaphore_mem>>
    tpu.enqueue_indirect_dma source(%dma_start3A_115 : memref<10240x48xf32, #tpu.memory_space<hbm>>) target(%dma_start3A_109 : memref<128x48xf32, #tpu.memory_space<vmem>>) offsets(%dma_start3A_112 : memref<128xi32, #tpu.memory_space<vmem>>) semaphore(%dma_start3A_117 : memref<!tpu.dma_semaphore, #tpu.memory_space<semaphore_mem>>)
    %dma_start3A_118 = arith.constant 4 : i32
    %dma_start3A_119 = arith.constant 4 : i32
    %dma_start3A_120 = arith.constant 4 : i32
    %dma_start3A_121 = arith.constant 0 : i32
    %dma_start3A_122 = arith.constant 0 : i32
    %dma_start3A_123 = tpu.memref_slice %arg9[%dma_start3A_119, %dma_start3A_121, %dma_start3A_122] : memref<12x128x48xf32, #tpu.memory_space<vmem>> -> memref<1x128x48xf32, #tpu.memory_space<vmem>>
    %dma_start3A_124 = tpu.memref_squeeze %dma_start3A_123 : memref<1x128x48xf32, #tpu.memory_space<vmem>> -> memref<128x48xf32, #tpu.memory_space<vmem>>
    %dma_start3A_125 = arith.constant 0 : i32
    %dma_start3A_126 = tpu.memref_slice %arg7[%dma_start3A_118, %dma_start3A_125] : memref<88x128xi32, #tpu.memory_space<vmem>> -> memref<1x128xi32, #tpu.memory_space<vmem>>
    %dma_start3A_127 = tpu.memref_squeeze %dma_start3A_126 : memref<1x128xi32, #tpu.memory_space<vmem>> -> memref<128xi32, #tpu.memory_space<vmem>>
    %dma_start3A_128 = arith.constant 0 : i32
    %dma_start3A_129 = arith.constant 0 : i32
    %dma_start3A_130 = tpu.memref_slice %arg2[%dma_start3A_128, %dma_start3A_129] : memref<10240x48xf32, #tpu.memory_space<hbm>> -> memref<10240x48xf32, #tpu.memory_space<hbm>>
    %dma_start3A_131 = tpu.memref_slice %arg11[%dma_start3A_120] : memref<12x!tpu.dma_semaphore, #tpu.memory_space<semaphore_mem>> -> memref<1x!tpu.dma_semaphore, #tpu.memory_space<semaphore_mem>>
    %dma_start3A_132 = tpu.memref_squeeze %dma_start3A_131 : memref<1x!tpu.dma_semaphore, #tpu.memory_space<semaphore_mem>> -> memref<!tpu.dma_semaphore, #tpu.memory_space<semaphore_mem>>
    tpu.enqueue_indirect_dma source(%dma_start3A_130 : memref<10240x48xf32, #tpu.memory_space<hbm>>) target(%dma_start3A_124 : memref<128x48xf32, #tpu.memory_space<vmem>>) offsets(%dma_start3A_127 : memref<128xi32, #tpu.memory_space<vmem>>) semaphore(%dma_start3A_132 : memref<!tpu.dma_semaphore, #tpu.memory_space<semaphore_mem>>)
    %dma_start3A_133 = arith.constant 5 : i32
    %dma_start3A_134 = arith.constant 5 : i32
    %dma_start3A_135 = arith.constant 5 : i32
    %dma_start3A_136 = arith.constant 0 : i32
    %dma_start3A_137 = arith.constant 0 : i32
    %dma_start3A_138 = tpu.memref_slice %arg9[%dma_start3A_134, %dma_start3A_136, %dma_start3A_137] : memref<12x128x48xf32, #tpu.memory_space<vmem>> -> memref<1x128x48xf32, #tpu.memory_space<vmem>>
    %dma_start3A_139 = tpu.memref_squeeze %dma_start3A_138 : memref<1x128x48xf32, #tpu.memory_space<vmem>> -> memref<128x48xf32, #tpu.memory_space<vmem>>
    %dma_start3A_140 = arith.constant 0 : i32
    %dma_start3A_141 = tpu.memref_slice %arg7[%dma_start3A_133, %dma_start3A_140] : memref<88x128xi32, #tpu.memory_space<vmem>> -> memref<1x128xi32, #tpu.memory_space<vmem>>
    %dma_start3A_142 = tpu.memref_squeeze %dma_start3A_141 : memref<1x128xi32, #tpu.memory_space<vmem>> -> memref<128xi32, #tpu.memory_space<vmem>>
    %dma_start3A_143 = arith.constant 0 : i32
    %dma_start3A_144 = arith.constant 0 : i32
    %dma_start3A_145 = tpu.memref_slice %arg2[%dma_start3A_143, %dma_start3A_144] : memref<10240x48xf32, #tpu.memory_space<hbm>> -> memref<10240x48xf32, #tpu.memory_space<hbm>>
    %dma_start3A_146 = tpu.memref_slice %arg11[%dma_start3A_135] : memref<12x!tpu.dma_semaphore, #tpu.memory_space<semaphore_mem>> -> memref<1x!tpu.dma_semaphore, #tpu.memory_space<semaphore_mem>>
    %dma_start3A_147 = tpu.memref_squeeze %dma_start3A_146 : memref<1x!tpu.dma_semaphore, #tpu.memory_space<semaphore_mem>> -> memref<!tpu.dma_semaphore, #tpu.memory_space<semaphore_mem>>
    tpu.enqueue_indirect_dma source(%dma_start3A_145 : memref<10240x48xf32, #tpu.memory_space<hbm>>) target(%dma_start3A_139 : memref<128x48xf32, #tpu.memory_space<vmem>>) offsets(%dma_start3A_142 : memref<128xi32, #tpu.memory_space<vmem>>) semaphore(%dma_start3A_147 : memref<!tpu.dma_semaphore, #tpu.memory_space<semaphore_mem>>)
    %while3A = arith.constant 0 : i32
    %while3A_148 = arith.constant 0 : i32
    %while3A_149 = arith.subi %sub3A_54, %while3A_148 : i32
    %while3A_150 = arith.addi %while3A_148, %while3A_149 : i32
    %while3A_151 = arith.constant 1 : i32
    %while3A_152 = arith.divsi %while3A_149, %while3A_151 : i32
    %while3A_153 = arith.muli %while3A_152, %while3A_151 : i32
    %while3A_154 = arith.addi %while3A_148, %while3A_153 : i32
    %while3A_155 = arith.constant 1 : i32
    scf.for %while3A_176 = %while3A_148 to %while3A_154 step %while3A_155  : i32 {
      %rem3A_177 = arith.constant 12 : i32
      %rem3A_178 = arith.remsi %while3A_176, %rem3A_177 : i32
      %dma_wait3A = arith.constant 0 : i32
      %dma_wait3A_179 = arith.constant 0 : i32
      %dma_wait3A_180 = tpu.memref_slice %arg9[%rem3A_178, %dma_wait3A, %dma_wait3A_179] : memref<12x128x48xf32, #tpu.memory_space<vmem>> -> memref<1x128x48xf32, #tpu.memory_space<vmem>>
      %dma_wait3A_181 = tpu.memref_squeeze %dma_wait3A_180 : memref<1x128x48xf32, #tpu.memory_space<vmem>> -> memref<128x48xf32, #tpu.memory_space<vmem>>
      %dma_wait3A_182 = arith.constant 0 : i32
      %dma_wait3A_183 = tpu.memref_slice %arg7[%while3A_176, %dma_wait3A_182] : memref<88x128xi32, #tpu.memory_space<vmem>> -> memref<1x128xi32, #tpu.memory_space<vmem>>
      %dma_wait3A_184 = tpu.memref_squeeze %dma_wait3A_183 : memref<1x128xi32, #tpu.memory_space<vmem>> -> memref<128xi32, #tpu.memory_space<vmem>>
      %dma_wait3A_185 = arith.constant 0 : i32
      %dma_wait3A_186 = arith.constant 0 : i32
      %dma_wait3A_187 = tpu.memref_slice %arg2[%dma_wait3A_185, %dma_wait3A_186] : memref<10240x48xf32, #tpu.memory_space<hbm>> -> memref<10240x48xf32, #tpu.memory_space<hbm>>
      %dma_wait3A_188 = tpu.memref_slice %arg11[%rem3A_178] : memref<12x!tpu.dma_semaphore, #tpu.memory_space<semaphore_mem>> -> memref<1x!tpu.dma_semaphore, #tpu.memory_space<semaphore_mem>>
      %dma_wait3A_189 = tpu.memref_squeeze %dma_wait3A_188 : memref<1x!tpu.dma_semaphore, #tpu.memory_space<semaphore_mem>> -> memref<!tpu.dma_semaphore, #tpu.memory_space<semaphore_mem>>
      tpu.wait_indirect_dma semaphore(%dma_wait3A_189 : memref<!tpu.dma_semaphore, #tpu.memory_space<semaphore_mem>>) src(%dma_wait3A_187 : memref<10240x48xf32, #tpu.memory_space<hbm>>) dst(%dma_wait3A_181 : memref<128x48xf32, #tpu.memory_space<vmem>>)
      %dma_start3A_190 = arith.constant 0 : i32
      %dma_start3A_191 = arith.constant 0 : i32
      %dma_start3A_192 = tpu.memref_slice %arg9[%rem3A_178, %dma_start3A_190, %dma_start3A_191] : memref<12x128x48xf32, #tpu.memory_space<vmem>> -> memref<1x128x48xf32, #tpu.memory_space<vmem>>
      %dma_start3A_193 = tpu.memref_squeeze %dma_start3A_192 : memref<1x128x48xf32, #tpu.memory_space<vmem>> -> memref<128x48xf32, #tpu.memory_space<vmem>>
      %dma_start3A_194 = arith.constant 0 : i32
      %dma_start3A_195 = tpu.memref_slice %arg8[%while3A_176, %dma_start3A_194] : memref<88x128xi32, #tpu.memory_space<vmem>> -> memref<1x128xi32, #tpu.memory_space<vmem>>
      %dma_start3A_196 = tpu.memref_squeeze %dma_start3A_195 : memref<1x128xi32, #tpu.memory_space<vmem>> -> memref<128xi32, #tpu.memory_space<vmem>>
      %dma_start3A_197 = arith.constant 0 : i32
      %dma_start3A_198 = arith.constant 0 : i32
      %dma_start3A_199 = tpu.memref_slice %arg10[%dma_start3A_197, %dma_start3A_198] : memref<10240x48xf32, #tpu.memory_space<vmem_shared>> -> memref<10240x48xf32, #tpu.memory_space<vmem_shared>>
      %dma_start3A_200 = tpu.memref_slice %arg12[%rem3A_178] : memref<12x!tpu.dma_semaphore, #tpu.memory_space<semaphore_mem>> -> memref<1x!tpu.dma_semaphore, #tpu.memory_space<semaphore_mem>>
      %dma_start3A_201 = tpu.memref_squeeze %dma_start3A_200 : memref<1x!tpu.dma_semaphore, #tpu.memory_space<semaphore_mem>> -> memref<!tpu.dma_semaphore, #tpu.memory_space<semaphore_mem>>
      tpu.enqueue_indirect_dma source(%dma_start3A_193 : memref<128x48xf32, #tpu.memory_space<vmem>>) target(%dma_start3A_199 : memref<10240x48xf32, #tpu.memory_space<vmem_shared>>) offsets(%dma_start3A_196 : memref<128xi32, #tpu.memory_space<vmem>>) semaphore(%dma_start3A_201 : memref<!tpu.dma_semaphore, #tpu.memory_space<semaphore_mem>>) {add = true}
      %sub3A_202 = arith.constant 6 : i32
      %sub3A_203 = arith.subi %while3A_176, %sub3A_202 : i32
      %add3A_204 = arith.constant 6 : i32
      %add3A_205 = arith.addi %while3A_176, %add3A_204 : i32
      %lt3A = arith.cmpi slt, %add3A_205, %sub3A_54 : i32
      %convert_element_type3A = arith.extui %lt3A : i1 to i32
      %cond3A = arith.constant 0 : i32
      %cond3A_206 = arith.cmpi ne, %convert_element_type3A, %cond3A : i32
      scf.if %cond3A_206 {
        %rem3A_207 = arith.constant 12 : i32
        %rem3A_208 = arith.remsi %add3A_205, %rem3A_207 : i32
        %ge3A = arith.constant 0 : i32
        %ge3A_209 = arith.cmpi sge, %sub3A_203, %ge3A : i32
        %convert_element_type3A_210 = arith.extui %ge3A_209 : i1 to i32
        %cond3A_211 = arith.constant 0 : i32
        %cond3A_212 = arith.cmpi ne, %convert_element_type3A_210, %cond3A_211 : i32
        scf.if %cond3A_212 {
          %dma_wait3A_225 = arith.constant 0 : i32
          %dma_wait3A_226 = arith.constant 0 : i32
          %dma_wait3A_227 = tpu.memref_slice %arg9[%rem3A_208, %dma_wait3A_225, %dma_wait3A_226] : memref<12x128x48xf32, #tpu.memory_space<vmem>> -> memref<1x128x48xf32, #tpu.memory_space<vmem>>
          %dma_wait3A_228 = tpu.memref_squeeze %dma_wait3A_227 : memref<1x128x48xf32, #tpu.memory_space<vmem>> -> memref<128x48xf32, #tpu.memory_space<vmem>>
          %dma_wait3A_229 = arith.constant 0 : i32
          %dma_wait3A_230 = tpu.memref_slice %arg8[%while3A_176, %dma_wait3A_229] : memref<88x128xi32, #tpu.memory_space<vmem>> -> memref<1x128xi32, #tpu.memory_space<vmem>>
          %dma_wait3A_231 = tpu.memref_squeeze %dma_wait3A_230 : memref<1x128xi32, #tpu.memory_space<vmem>> -> memref<128xi32, #tpu.memory_space<vmem>>
          %dma_wait3A_232 = arith.constant 0 : i32
          %dma_wait3A_233 = arith.constant 0 : i32
          %dma_wait3A_234 = tpu.memref_slice %arg10[%dma_wait3A_232, %dma_wait3A_233] : memref<10240x48xf32, #tpu.memory_space<vmem_shared>> -> memref<10240x48xf32, #tpu.memory_space<vmem_shared>>
          %dma_wait3A_235 = tpu.memref_slice %arg12[%rem3A_208] : memref<12x!tpu.dma_semaphore, #tpu.memory_space<semaphore_mem>> -> memref<1x!tpu.dma_semaphore, #tpu.memory_space<semaphore_mem>>
          %dma_wait3A_236 = tpu.memref_squeeze %dma_wait3A_235 : memref<1x!tpu.dma_semaphore, #tpu.memory_space<semaphore_mem>> -> memref<!tpu.dma_semaphore, #tpu.memory_space<semaphore_mem>>
          tpu.wait_indirect_dma semaphore(%dma_wait3A_236 : memref<!tpu.dma_semaphore, #tpu.memory_space<semaphore_mem>>) src(%dma_wait3A_228 : memref<128x48xf32, #tpu.memory_space<vmem>>) dst(%dma_wait3A_234 : memref<10240x48xf32, #tpu.memory_space<vmem_shared>>)
        } else {
        }
        %dma_start3A_213 = arith.constant 0 : i32
        %dma_start3A_214 = arith.constant 0 : i32
        %dma_start3A_215 = tpu.memref_slice %arg9[%rem3A_208, %dma_start3A_213, %dma_start3A_214] : memref<12x128x48xf32, #tpu.memory_space<vmem>> -> memref<1x128x48xf32, #tpu.memory_space<vmem>>
        %dma_start3A_216 = tpu.memref_squeeze %dma_start3A_215 : memref<1x128x48xf32, #tpu.memory_space<vmem>> -> memref<128x48xf32, #tpu.memory_space<vmem>>
        %dma_start3A_217 = arith.constant 0 : i32
        %dma_start3A_218 = tpu.memref_slice %arg7[%add3A_205, %dma_start3A_217] : memref<88x128xi32, #tpu.memory_space<vmem>> -> memref<1x128xi32, #tpu.memory_space<vmem>>
        %dma_start3A_219 = tpu.memref_squeeze %dma_start3A_218 : memref<1x128xi32, #tpu.memory_space<vmem>> -> memref<128xi32, #tpu.memory_space<vmem>>
        %dma_start3A_220 = arith.constant 0 : i32
        %dma_start3A_221 = arith.constant 0 : i32
        %dma_start3A_222 = tpu.memref_slice %arg2[%dma_start3A_220, %dma_start3A_221] : memref<10240x48xf32, #tpu.memory_space<hbm>> -> memref<10240x48xf32, #tpu.memory_space<hbm>>
        %dma_start3A_223 = tpu.memref_slice %arg11[%rem3A_208] : memref<12x!tpu.dma_semaphore, #tpu.memory_space<semaphore_mem>> -> memref<1x!tpu.dma_semaphore, #tpu.memory_space<semaphore_mem>>
        %dma_start3A_224 = tpu.memref_squeeze %dma_start3A_223 : memref<1x!tpu.dma_semaphore, #tpu.memory_space<semaphore_mem>> -> memref<!tpu.dma_semaphore, #tpu.memory_space<semaphore_mem>>
        tpu.enqueue_indirect_dma source(%dma_start3A_222 : memref<10240x48xf32, #tpu.memory_space<hbm>>) target(%dma_start3A_216 : memref<128x48xf32, #tpu.memory_space<vmem>>) offsets(%dma_start3A_219 : memref<128xi32, #tpu.memory_space<vmem>>) semaphore(%dma_start3A_224 : memref<!tpu.dma_semaphore, #tpu.memory_space<semaphore_mem>>)
      } else {
      }
    }
    %while3A_156 = arith.constant 1 : i32
    scf.for %while3A_176 = %while3A_154 to %while3A_150 step %while3A_156  : i32 {
      %rem3A_177 = arith.constant 12 : i32
      %rem3A_178 = arith.remsi %while3A_176, %rem3A_177 : i32
      %dma_wait3A = arith.constant 0 : i32
      %dma_wait3A_179 = arith.constant 0 : i32
      %dma_wait3A_180 = tpu.memref_slice %arg9[%rem3A_178, %dma_wait3A, %dma_wait3A_179] : memref<12x128x48xf32, #tpu.memory_space<vmem>> -> memref<1x128x48xf32, #tpu.memory_space<vmem>>
      %dma_wait3A_181 = tpu.memref_squeeze %dma_wait3A_180 : memref<1x128x48xf32, #tpu.memory_space<vmem>> -> memref<128x48xf32, #tpu.memory_space<vmem>>
      %dma_wait3A_182 = arith.constant 0 : i32
      %dma_wait3A_183 = tpu.memref_slice %arg7[%while3A_176, %dma_wait3A_182] : memref<88x128xi32, #tpu.memory_space<vmem>> -> memref<1x128xi32, #tpu.memory_space<vmem>>
      %dma_wait3A_184 = tpu.memref_squeeze %dma_wait3A_183 : memref<1x128xi32, #tpu.memory_space<vmem>> -> memref<128xi32, #tpu.memory_space<vmem>>
      %dma_wait3A_185 = arith.constant 0 : i32
      %dma_wait3A_186 = arith.constant 0 : i32
      %dma_wait3A_187 = tpu.memref_slice %arg2[%dma_wait3A_185, %dma_wait3A_186] : memref<10240x48xf32, #tpu.memory_space<hbm>> -> memref<10240x48xf32, #tpu.memory_space<hbm>>
      %dma_wait3A_188 = tpu.memref_slice %arg11[%rem3A_178] : memref<12x!tpu.dma_semaphore, #tpu.memory_space<semaphore_mem>> -> memref<1x!tpu.dma_semaphore, #tpu.memory_space<semaphore_mem>>
      %dma_wait3A_189 = tpu.memref_squeeze %dma_wait3A_188 : memref<1x!tpu.dma_semaphore, #tpu.memory_space<semaphore_mem>> -> memref<!tpu.dma_semaphore, #tpu.memory_space<semaphore_mem>>
      tpu.wait_indirect_dma semaphore(%dma_wait3A_189 : memref<!tpu.dma_semaphore, #tpu.memory_space<semaphore_mem>>) src(%dma_wait3A_187 : memref<10240x48xf32, #tpu.memory_space<hbm>>) dst(%dma_wait3A_181 : memref<128x48xf32, #tpu.memory_space<vmem>>)
      %dma_start3A_190 = arith.constant 0 : i32
      %dma_start3A_191 = arith.constant 0 : i32
      %dma_start3A_192 = tpu.memref_slice %arg9[%rem3A_178, %dma_start3A_190, %dma_start3A_191] : memref<12x128x48xf32, #tpu.memory_space<vmem>> -> memref<1x128x48xf32, #tpu.memory_space<vmem>>
      %dma_start3A_193 = tpu.memref_squeeze %dma_start3A_192 : memref<1x128x48xf32, #tpu.memory_space<vmem>> -> memref<128x48xf32, #tpu.memory_space<vmem>>
      %dma_start3A_194 = arith.constant 0 : i32
      %dma_start3A_195 = tpu.memref_slice %arg8[%while3A_176, %dma_start3A_194] : memref<88x128xi32, #tpu.memory_space<vmem>> -> memref<1x128xi32, #tpu.memory_space<vmem>>
      %dma_start3A_196 = tpu.memref_squeeze %dma_start3A_195 : memref<1x128xi32, #tpu.memory_space<vmem>> -> memref<128xi32, #tpu.memory_space<vmem>>
      %dma_start3A_197 = arith.constant 0 : i32
      %dma_start3A_198 = arith.constant 0 : i32
      %dma_start3A_199 = tpu.memref_slice %arg10[%dma_start3A_197, %dma_start3A_198] : memref<10240x48xf32, #tpu.memory_space<vmem_shared>> -> memref<10240x48xf32, #tpu.memory_space<vmem_shared>>
      %dma_start3A_200 = tpu.memref_slice %arg12[%rem3A_178] : memref<12x!tpu.dma_semaphore, #tpu.memory_space<semaphore_mem>> -> memref<1x!tpu.dma_semaphore, #tpu.memory_space<semaphore_mem>>
      %dma_start3A_201 = tpu.memref_squeeze %dma_start3A_200 : memref<1x!tpu.dma_semaphore, #tpu.memory_space<semaphore_mem>> -> memref<!tpu.dma_semaphore, #tpu.memory_space<semaphore_mem>>
      tpu.enqueue_indirect_dma source(%dma_start3A_193 : memref<128x48xf32, #tpu.memory_space<vmem>>) target(%dma_start3A_199 : memref<10240x48xf32, #tpu.memory_space<vmem_shared>>) offsets(%dma_start3A_196 : memref<128xi32, #tpu.memory_space<vmem>>) semaphore(%dma_start3A_201 : memref<!tpu.dma_semaphore, #tpu.memory_space<semaphore_mem>>) {add = true}
      %sub3A_202 = arith.constant 6 : i32
      %sub3A_203 = arith.subi %while3A_176, %sub3A_202 : i32
      %add3A_204 = arith.constant 6 : i32
      %add3A_205 = arith.addi %while3A_176, %add3A_204 : i32
      %lt3A = arith.cmpi slt, %add3A_205, %sub3A_54 : i32
      %convert_element_type3A = arith.extui %lt3A : i1 to i32
      %cond3A = arith.constant 0 : i32
      %cond3A_206 = arith.cmpi ne, %convert_element_type3A, %cond3A : i32
      scf.if %cond3A_206 {
        %rem3A_207 = arith.constant 12 : i32
        %rem3A_208 = arith.remsi %add3A_205, %rem3A_207 : i32
        %ge3A = arith.constant 0 : i32
        %ge3A_209 = arith.cmpi sge, %sub3A_203, %ge3A : i32
        %convert_element_type3A_210 = arith.extui %ge3A_209 : i1 to i32
        %cond3A_211 = arith.constant 0 : i32
        %cond3A_212 = arith.cmpi ne, %convert_element_type3A_210, %cond3A_211 : i32
        scf.if %cond3A_212 {
          %dma_wait3A_225 = arith.constant 0 : i32
          %dma_wait3A_226 = arith.constant 0 : i32
          %dma_wait3A_227 = tpu.memref_slice %arg9[%rem3A_208, %dma_wait3A_225, %dma_wait3A_226] : memref<12x128x48xf32, #tpu.memory_space<vmem>> -> memref<1x128x48xf32, #tpu.memory_space<vmem>>
          %dma_wait3A_228 = tpu.memref_squeeze %dma_wait3A_227 : memref<1x128x48xf32, #tpu.memory_space<vmem>> -> memref<128x48xf32, #tpu.memory_space<vmem>>
          %dma_wait3A_229 = arith.constant 0 : i32
          %dma_wait3A_230 = tpu.memref_slice %arg8[%while3A_176, %dma_wait3A_229] : memref<88x128xi32, #tpu.memory_space<vmem>> -> memref<1x128xi32, #tpu.memory_space<vmem>>
          %dma_wait3A_231 = tpu.memref_squeeze %dma_wait3A_230 : memref<1x128xi32, #tpu.memory_space<vmem>> -> memref<128xi32, #tpu.memory_space<vmem>>
          %dma_wait3A_232 = arith.constant 0 : i32
          %dma_wait3A_233 = arith.constant 0 : i32
          %dma_wait3A_234 = tpu.memref_slice %arg10[%dma_wait3A_232, %dma_wait3A_233] : memref<10240x48xf32, #tpu.memory_space<vmem_shared>> -> memref<10240x48xf32, #tpu.memory_space<vmem_shared>>
          %dma_wait3A_235 = tpu.memref_slice %arg12[%rem3A_208] : memref<12x!tpu.dma_semaphore, #tpu.memory_space<semaphore_mem>> -> memref<1x!tpu.dma_semaphore, #tpu.memory_space<semaphore_mem>>
          %dma_wait3A_236 = tpu.memref_squeeze %dma_wait3A_235 : memref<1x!tpu.dma_semaphore, #tpu.memory_space<semaphore_mem>> -> memref<!tpu.dma_semaphore, #tpu.memory_space<semaphore_mem>>
          tpu.wait_indirect_dma semaphore(%dma_wait3A_236 : memref<!tpu.dma_semaphore, #tpu.memory_space<semaphore_mem>>) src(%dma_wait3A_228 : memref<128x48xf32, #tpu.memory_space<vmem>>) dst(%dma_wait3A_234 : memref<10240x48xf32, #tpu.memory_space<vmem_shared>>)
        } else {
        }
        %dma_start3A_213 = arith.constant 0 : i32
        %dma_start3A_214 = arith.constant 0 : i32
        %dma_start3A_215 = tpu.memref_slice %arg9[%rem3A_208, %dma_start3A_213, %dma_start3A_214] : memref<12x128x48xf32, #tpu.memory_space<vmem>> -> memref<1x128x48xf32, #tpu.memory_space<vmem>>
        %dma_start3A_216 = tpu.memref_squeeze %dma_start3A_215 : memref<1x128x48xf32, #tpu.memory_space<vmem>> -> memref<128x48xf32, #tpu.memory_space<vmem>>
        %dma_start3A_217 = arith.constant 0 : i32
        %dma_start3A_218 = tpu.memref_slice %arg7[%add3A_205, %dma_start3A_217] : memref<88x128xi32, #tpu.memory_space<vmem>> -> memref<1x128xi32, #tpu.memory_space<vmem>>
        %dma_start3A_219 = tpu.memref_squeeze %dma_start3A_218 : memref<1x128xi32, #tpu.memory_space<vmem>> -> memref<128xi32, #tpu.memory_space<vmem>>
        %dma_start3A_220 = arith.constant 0 : i32
        %dma_start3A_221 = arith.constant 0 : i32
        %dma_start3A_222 = tpu.memref_slice %arg2[%dma_start3A_220, %dma_start3A_221] : memref<10240x48xf32, #tpu.memory_space<hbm>> -> memref<10240x48xf32, #tpu.memory_space<hbm>>
        %dma_start3A_223 = tpu.memref_slice %arg11[%rem3A_208] : memref<12x!tpu.dma_semaphore, #tpu.memory_space<semaphore_mem>> -> memref<1x!tpu.dma_semaphore, #tpu.memory_space<semaphore_mem>>
        %dma_start3A_224 = tpu.memref_squeeze %dma_start3A_223 : memref<1x!tpu.dma_semaphore, #tpu.memory_space<semaphore_mem>> -> memref<!tpu.dma_semaphore, #tpu.memory_space<semaphore_mem>>
        tpu.enqueue_indirect_dma source(%dma_start3A_222 : memref<10240x48xf32, #tpu.memory_space<hbm>>) target(%dma_start3A_216 : memref<128x48xf32, #tpu.memory_space<vmem>>) offsets(%dma_start3A_219 : memref<128xi32, #tpu.memory_space<vmem>>) semaphore(%dma_start3A_224 : memref<!tpu.dma_semaphore, #tpu.memory_space<semaphore_mem>>)
      } else {
      }
    }
    %sub3A_157 = arith.constant 6 : i32
    %sub3A_158 = arith.subi %sub3A_54, %sub3A_157 : i32
    %sub3A_159 = arith.constant 6 : i32
    %sub3A_160 = arith.subi %sub3A_158, %sub3A_159 : i32
    %max3A = arith.constant 0 : i32
    %max3A_161 = arith.maxsi %max3A, %sub3A_160 : i32
    %while3A_162 = arith.constant 0 : i32
    %while3A_163 = arith.subi %sub3A_54, %max3A_161 : i32
    %while3A_164 = arith.addi %max3A_161, %while3A_163 : i32
    %while3A_165 = arith.constant 1 : i32
    %while3A_166 = arith.divsi %while3A_163, %while3A_165 : i32
    %while3A_167 = arith.muli %while3A_166, %while3A_165 : i32
    %while3A_168 = arith.addi %max3A_161, %while3A_167 : i32
    %while3A_169 = arith.constant 1 : i32
    scf.for %while3A_176 = %max3A_161 to %while3A_168 step %while3A_169  : i32 {
      %rem3A_177 = arith.constant 12 : i32
      %rem3A_178 = arith.remsi %while3A_176, %rem3A_177 : i32
      %rem3A_179 = arith.constant 12 : i32
      %rem3A_180 = arith.remsi %while3A_176, %rem3A_179 : i32
      %dma_wait3A = arith.constant 0 : i32
      %dma_wait3A_181 = arith.constant 0 : i32
      %dma_wait3A_182 = arith.constant 0 : i32
      %dma_wait3A_183 = tpu.memref_slice %arg9[%rem3A_178, %dma_wait3A_181, %dma_wait3A_182] : memref<12x128x48xf32, #tpu.memory_space<vmem>> -> memref<1x128x48xf32, #tpu.memory_space<vmem>>
      %dma_wait3A_184 = tpu.memref_squeeze %dma_wait3A_183 : memref<1x128x48xf32, #tpu.memory_space<vmem>> -> memref<128x48xf32, #tpu.memory_space<vmem>>
      %dma_wait3A_185 = arith.constant 0 : i32
      %dma_wait3A_186 = tpu.memref_slice %arg8[%dma_wait3A, %dma_wait3A_185] : memref<88x128xi32, #tpu.memory_space<vmem>> -> memref<1x128xi32, #tpu.memory_space<vmem>>
      %dma_wait3A_187 = tpu.memref_squeeze %dma_wait3A_186 : memref<1x128xi32, #tpu.memory_space<vmem>> -> memref<128xi32, #tpu.memory_space<vmem>>
      %dma_wait3A_188 = arith.constant 0 : i32
      %dma_wait3A_189 = arith.constant 0 : i32
      %dma_wait3A_190 = tpu.memref_slice %arg10[%dma_wait3A_188, %dma_wait3A_189] : memref<10240x48xf32, #tpu.memory_space<vmem_shared>> -> memref<10240x48xf32, #tpu.memory_space<vmem_shared>>
      %dma_wait3A_191 = tpu.memref_slice %arg12[%rem3A_180] : memref<12x!tpu.dma_semaphore, #tpu.memory_space<semaphore_mem>> -> memref<1x!tpu.dma_semaphore, #tpu.memory_space<semaphore_mem>>
      %dma_wait3A_192 = tpu.memref_squeeze %dma_wait3A_191 : memref<1x!tpu.dma_semaphore, #tpu.memory_space<semaphore_mem>> -> memref<!tpu.dma_semaphore, #tpu.memory_space<semaphore_mem>>
      tpu.wait_indirect_dma semaphore(%dma_wait3A_192 : memref<!tpu.dma_semaphore, #tpu.memory_space<semaphore_mem>>) src(%dma_wait3A_184 : memref<128x48xf32, #tpu.memory_space<vmem>>) dst(%dma_wait3A_190 : memref<10240x48xf32, #tpu.memory_space<vmem_shared>>)
    }
    %while3A_170 = arith.constant 1 : i32
    scf.for %while3A_176 = %while3A_168 to %while3A_164 step %while3A_170  : i32 {
      %rem3A_177 = arith.constant 12 : i32
      %rem3A_178 = arith.remsi %while3A_176, %rem3A_177 : i32
      %rem3A_179 = arith.constant 12 : i32
      %rem3A_180 = arith.remsi %while3A_176, %rem3A_179 : i32
      %dma_wait3A = arith.constant 0 : i32
      %dma_wait3A_181 = arith.constant 0 : i32
      %dma_wait3A_182 = arith.constant 0 : i32
      %dma_wait3A_183 = tpu.memref_slice %arg9[%rem3A_178, %dma_wait3A_181, %dma_wait3A_182] : memref<12x128x48xf32, #tpu.memory_space<vmem>> -> memref<1x128x48xf32, #tpu.memory_space<vmem>>
      %dma_wait3A_184 = tpu.memref_squeeze %dma_wait3A_183 : memref<1x128x48xf32, #tpu.memory_space<vmem>> -> memref<128x48xf32, #tpu.memory_space<vmem>>
      %dma_wait3A_185 = arith.constant 0 : i32
      %dma_wait3A_186 = tpu.memref_slice %arg8[%dma_wait3A, %dma_wait3A_185] : memref<88x128xi32, #tpu.memory_space<vmem>> -> memref<1x128xi32, #tpu.memory_space<vmem>>
      %dma_wait3A_187 = tpu.memref_squeeze %dma_wait3A_186 : memref<1x128xi32, #tpu.memory_space<vmem>> -> memref<128xi32, #tpu.memory_space<vmem>>
      %dma_wait3A_188 = arith.constant 0 : i32
      %dma_wait3A_189 = arith.constant 0 : i32
      %dma_wait3A_190 = tpu.memref_slice %arg10[%dma_wait3A_188, %dma_wait3A_189] : memref<10240x48xf32, #tpu.memory_space<vmem_shared>> -> memref<10240x48xf32, #tpu.memory_space<vmem_shared>>
      %dma_wait3A_191 = tpu.memref_slice %arg12[%rem3A_180] : memref<12x!tpu.dma_semaphore, #tpu.memory_space<semaphore_mem>> -> memref<1x!tpu.dma_semaphore, #tpu.memory_space<semaphore_mem>>
      %dma_wait3A_192 = tpu.memref_squeeze %dma_wait3A_191 : memref<1x!tpu.dma_semaphore, #tpu.memory_space<semaphore_mem>> -> memref<!tpu.dma_semaphore, #tpu.memory_space<semaphore_mem>>
      tpu.wait_indirect_dma semaphore(%dma_wait3A_192 : memref<!tpu.dma_semaphore, #tpu.memory_space<semaphore_mem>>) src(%dma_wait3A_184 : memref<128x48xf32, #tpu.memory_space<vmem>>) dst(%dma_wait3A_190 : memref<10240x48xf32, #tpu.memory_space<vmem_shared>>)
    }
    %barrier3A_171 = arith.constant 0 : index
    tpu.barrier barrier_id(%barrier3A_171)
    %mul3A_172 = arith.constant 640 : i32
    %mul3A_173 = arith.muli %arg1, %mul3A_172 : i32
    %mul3A_174 = arith.constant 640 : i32
    %mul3A_175 = arith.muli %arg1, %mul3A_174 : i32
    "tpu.region"() ({
      %run_scoped3A = tpu.sem_alloc : memref<!tpu.dma_semaphore, #tpu.memory_space<semaphore_mem>>
      %dma_start3A_176 = arith.constant 0 : i32
      %dma_start3A_177 = tpu.memref_slice %arg6[%arg0, %mul3A_175, %dma_start3A_176] : memref<2x10240x48xf32, #tpu.memory_space<hbm>> -> memref<1x640x48xf32, #tpu.memory_space<hbm>>
      %dma_start3A_178 = tpu.memref_squeeze %dma_start3A_177 : memref<1x640x48xf32, #tpu.memory_space<hbm>> -> memref<640x48xf32, #tpu.memory_space<hbm>>
      %dma_start3A_179 = arith.constant 0 : i32
      %dma_start3A_180 = tpu.memref_slice %arg10[%mul3A_173, %dma_start3A_179] : memref<10240x48xf32, #tpu.memory_space<vmem_shared>> -> memref<640x48xf32, #tpu.memory_space<vmem_shared>>
      tpu.enqueue_dma source(%dma_start3A_180 : memref<640x48xf32, #tpu.memory_space<vmem_shared>>) target(%dma_start3A_178 : memref<640x48xf32, #tpu.memory_space<hbm>>) target_semaphore(%run_scoped3A : memref<!tpu.dma_semaphore, #tpu.memory_space<semaphore_mem>>)
      %dma_wait3A = arith.constant 0 : i32
      %dma_wait3A_181 = tpu.memref_slice %arg6[%arg0, %mul3A_175, %dma_wait3A] : memref<2x10240x48xf32, #tpu.memory_space<hbm>> -> memref<1x640x48xf32, #tpu.memory_space<hbm>>
      %dma_wait3A_182 = tpu.memref_squeeze %dma_wait3A_181 : memref<1x640x48xf32, #tpu.memory_space<hbm>> -> memref<640x48xf32, #tpu.memory_space<hbm>>
      %dma_wait3A_183 = arith.constant 0 : i32
      %dma_wait3A_184 = tpu.memref_slice %arg10[%mul3A_173, %dma_wait3A_183] : memref<10240x48xf32, #tpu.memory_space<vmem_shared>> -> memref<640x48xf32, #tpu.memory_space<vmem_shared>>
      tpu.wait_dma2 semaphore(%run_scoped3A : memref<!tpu.dma_semaphore, #tpu.memory_space<semaphore_mem>>) src(%dma_wait3A_184 : memref<640x48xf32, #tpu.memory_space<vmem_shared>>) dst(%dma_wait3A_182 : memref<640x48xf32, #tpu.memory_space<hbm>>)
      tpu.yield
    }) : () -> ()
    return
  }
}

#map = affine_map<(d0, d1) -> (0, 0)>
#map1 = affine_map<(d0, d1) -> (0)>
module attributes {stable_mosaic.version = 14 : i64} {
  func.func @_sc_degree(%arg0: i32, %arg1: i32, %arg2: memref<2504x128xi32, #tpu.memory_space<hbm>>, %arg3: memref<10240xf32, #tpu.memory_space<hbm>>, %arg4: memref<2x10240xf32, #tpu.memory_space<hbm>>, %arg5: memref<88x128xi32, #tpu.memory_space<vmem>>, %arg6: memref<128xf32, #tpu.memory_space<vmem>>, %arg7: memref<10240xf32, #tpu.memory_space<vmem_shared>>) attributes {dimension_semantics = [#tpu.dimension_semantics<core_parallel>, #tpu.dimension_semantics<subcore_parallel>], iteration_bounds = array<i64: 2, 16>, scalar_prefetch = 0 : i64, scratch_operands = 3 : i64, tpu.core_type = #tpu.core_type<sc_vector_subcore>, window_params = [{transform_indices = #map}, {transform_indices = #map1}, {transform_indices = #map}]} {
    %mul3A = arith.constant 2 : i32
    %mul3A_0 = arith.muli %arg1, %mul3A : i32
    %add3A = arith.addi %mul3A_0, %arg0 : i32
    %mul3A_1 = arith.constant 2500 : i32
    %mul3A_2 = arith.muli %add3A, %mul3A_1 : i32
    %jit3A = arith.constant 256 : i32
    %div3A = arith.divsi %mul3A_2, %jit3A : i32
    %sign3A = arith.constant 0 : i32
    %sign3A_3 = arith.cmpi sgt, %mul3A_2, %sign3A : i32
    %sign3A_4 = arith.extui %sign3A_3 : i1 to i32
    %sign3A_5 = arith.constant 0 : i32
    %sign3A_6 = arith.cmpi slt, %mul3A_2, %sign3A_5 : i32
    %sign3A_7 = arith.extui %sign3A_6 : i1 to i32
    %sign3A_8 = arith.subi %sign3A_4, %sign3A_7 : i32
    %sign3A_9 = arith.constant 0 : i32
    %sign3A_10 = arith.cmpi sgt, %jit3A, %sign3A_9 : i32
    %sign3A_11 = arith.extui %sign3A_10 : i1 to i32
    %sign3A_12 = arith.constant 0 : i32
    %sign3A_13 = arith.cmpi slt, %jit3A, %sign3A_12 : i32
    %sign3A_14 = arith.extui %sign3A_13 : i1 to i32
    %sign3A_15 = arith.subi %sign3A_11, %sign3A_14 : i32
    %ne3A = arith.cmpi ne, %sign3A_8, %sign3A_15 : i32
    %rem3A = arith.remsi %mul3A_2, %jit3A : i32
    %ne3A_16 = arith.constant 0 : i32
    %ne3A_17 = arith.cmpi ne, %rem3A, %ne3A_16 : i32
    %and3A = arith.andi %ne3A, %ne3A_17 : i1
    %sub3A = arith.constant 1 : i32
    %sub3A_18 = arith.subi %div3A, %sub3A : i32
    %select_n3A = arith.select %and3A, %sub3A_18, %div3A : i32
    %mul3A_19 = arith.constant 8 : i32
    %mul3A_20 = arith.muli %select_n3A, %mul3A_19 : i32
    %add3A_21 = arith.constant 1 : i32
    %add3A_22 = arith.addi %add3A, %add3A_21 : i32
    %mul3A_23 = arith.constant 2500 : i32
    %mul3A_24 = arith.muli %add3A_22, %mul3A_23 : i32
    %jit3A_25 = arith.constant 256 : i32
    %div3A_26 = arith.divsi %mul3A_24, %jit3A_25 : i32
    %sign3A_27 = arith.constant 0 : i32
    %sign3A_28 = arith.cmpi sgt, %mul3A_24, %sign3A_27 : i32
    %sign3A_29 = arith.extui %sign3A_28 : i1 to i32
    %sign3A_30 = arith.constant 0 : i32
    %sign3A_31 = arith.cmpi slt, %mul3A_24, %sign3A_30 : i32
    %sign3A_32 = arith.extui %sign3A_31 : i1 to i32
    %sign3A_33 = arith.subi %sign3A_29, %sign3A_32 : i32
    %sign3A_34 = arith.constant 0 : i32
    %sign3A_35 = arith.cmpi sgt, %jit3A_25, %sign3A_34 : i32
    %sign3A_36 = arith.extui %sign3A_35 : i1 to i32
    %sign3A_37 = arith.constant 0 : i32
    %sign3A_38 = arith.cmpi slt, %jit3A_25, %sign3A_37 : i32
    %sign3A_39 = arith.extui %sign3A_38 : i1 to i32
    %sign3A_40 = arith.subi %sign3A_36, %sign3A_39 : i32
    %ne3A_41 = arith.cmpi ne, %sign3A_33, %sign3A_40 : i32
    %rem3A_42 = arith.remsi %mul3A_24, %jit3A_25 : i32
    %ne3A_43 = arith.constant 0 : i32
    %ne3A_44 = arith.cmpi ne, %rem3A_42, %ne3A_43 : i32
    %and3A_45 = arith.andi %ne3A_41, %ne3A_44 : i1
    %sub3A_46 = arith.constant 1 : i32
    %sub3A_47 = arith.subi %div3A_26, %sub3A_46 : i32
    %select_n3A_48 = arith.select %and3A_45, %sub3A_47, %div3A_26 : i32
    %mul3A_49 = arith.constant 8 : i32
    %mul3A_50 = arith.muli %select_n3A_48, %mul3A_49 : i32
    %eq3A = arith.constant 31 : i32
    %eq3A_51 = arith.cmpi eq, %add3A, %eq3A : i32
    %jit3A_52 = arith.constant 2500 : i32
    %select_n3A_53 = arith.select %eq3A_51, %jit3A_52, %mul3A_50 : i32
    %sub3A_54 = arith.subi %select_n3A_53, %mul3A_20 : i32
    %broadcast_in_dim3A = arith.constant 1.000000e+00 : f32
    %broadcast_in_dim3A_55 = vector.broadcast %broadcast_in_dim3A : f32 to vector<16xf32>
    %swap3A = arith.constant 0 : index
    %swap3A_56 = tpu.vector_load %arg6[%swap3A] {strides = array<i32>} : memref<128xf32, #tpu.memory_space<vmem>>, vector<16xf32>,
    %swap3A_57 = vector.shape_cast %swap3A_56 : vector<16xf32> to vector<16xf32>
    %swap3A_58 = vector.shape_cast %broadcast_in_dim3A_55 : vector<16xf32> to vector<16xf32>
    tpu.vector_store %arg6[%swap3A], %swap3A_58 {strides = array<i32>} : memref<128xf32, #tpu.memory_space<vmem>>, vector<16xf32>,
    %broadcast_in_dim3A_59 = arith.constant 1.000000e+00 : f32
    %broadcast_in_dim3A_60 = vector.broadcast %broadcast_in_dim3A_59 : f32 to vector<16xf32>
    %swap3A_61 = arith.constant 16 : index
    %swap3A_62 = tpu.vector_load %arg6[%swap3A_61] {strides = array<i32>} : memref<128xf32, #tpu.memory_space<vmem>>, vector<16xf32>,
    %swap3A_63 = vector.shape_cast %swap3A_62 : vector<16xf32> to vector<16xf32>
    %swap3A_64 = vector.shape_cast %broadcast_in_dim3A_60 : vector<16xf32> to vector<16xf32>
    tpu.vector_store %arg6[%swap3A_61], %swap3A_64 {strides = array<i32>} : memref<128xf32, #tpu.memory_space<vmem>>, vector<16xf32>,
    %broadcast_in_dim3A_65 = arith.constant 1.000000e+00 : f32
    %broadcast_in_dim3A_66 = vector.broadcast %broadcast_in_dim3A_65 : f32 to vector<16xf32>
    %swap3A_67 = arith.constant 32 : index
    %swap3A_68 = tpu.vector_load %arg6[%swap3A_67] {strides = array<i32>} : memref<128xf32, #tpu.memory_space<vmem>>, vector<16xf32>,
    %swap3A_69 = vector.shape_cast %swap3A_68 : vector<16xf32> to vector<16xf32>
    %swap3A_70 = vector.shape_cast %broadcast_in_dim3A_66 : vector<16xf32> to vector<16xf32>
    tpu.vector_store %arg6[%swap3A_67], %swap3A_70 {strides = array<i32>} : memref<128xf32, #tpu.memory_space<vmem>>, vector<16xf32>,
    %broadcast_in_dim3A_71 = arith.constant 1.000000e+00 : f32
    %broadcast_in_dim3A_72 = vector.broadcast %broadcast_in_dim3A_71 : f32 to vector<16xf32>
    %swap3A_73 = arith.constant 48 : index
    %swap3A_74 = tpu.vector_load %arg6[%swap3A_73] {strides = array<i32>} : memref<128xf32, #tpu.memory_space<vmem>>, vector<16xf32>,
    %swap3A_75 = vector.shape_cast %swap3A_74 : vector<16xf32> to vector<16xf32>
    %swap3A_76 = vector.shape_cast %broadcast_in_dim3A_72 : vector<16xf32> to vector<16xf32>
    tpu.vector_store %arg6[%swap3A_73], %swap3A_76 {strides = array<i32>} : memref<128xf32, #tpu.memory_space<vmem>>, vector<16xf32>,
    %broadcast_in_dim3A_77 = arith.constant 1.000000e+00 : f32
    %broadcast_in_dim3A_78 = vector.broadcast %broadcast_in_dim3A_77 : f32 to vector<16xf32>
    %swap3A_79 = arith.constant 64 : index
    %swap3A_80 = tpu.vector_load %arg6[%swap3A_79] {strides = array<i32>} : memref<128xf32, #tpu.memory_space<vmem>>, vector<16xf32>,
    %swap3A_81 = vector.shape_cast %swap3A_80 : vector<16xf32> to vector<16xf32>
    %swap3A_82 = vector.shape_cast %broadcast_in_dim3A_78 : vector<16xf32> to vector<16xf32>
    tpu.vector_store %arg6[%swap3A_79], %swap3A_82 {strides = array<i32>} : memref<128xf32, #tpu.memory_space<vmem>>, vector<16xf32>,
    %broadcast_in_dim3A_83 = arith.constant 1.000000e+00 : f32
    %broadcast_in_dim3A_84 = vector.broadcast %broadcast_in_dim3A_83 : f32 to vector<16xf32>
    %swap3A_85 = arith.constant 80 : index
    %swap3A_86 = tpu.vector_load %arg6[%swap3A_85] {strides = array<i32>} : memref<128xf32, #tpu.memory_space<vmem>>, vector<16xf32>,
    %swap3A_87 = vector.shape_cast %swap3A_86 : vector<16xf32> to vector<16xf32>
    %swap3A_88 = vector.shape_cast %broadcast_in_dim3A_84 : vector<16xf32> to vector<16xf32>
    tpu.vector_store %arg6[%swap3A_85], %swap3A_88 {strides = array<i32>} : memref<128xf32, #tpu.memory_space<vmem>>, vector<16xf32>,
    %broadcast_in_dim3A_89 = arith.constant 1.000000e+00 : f32
    %broadcast_in_dim3A_90 = vector.broadcast %broadcast_in_dim3A_89 : f32 to vector<16xf32>
    %swap3A_91 = arith.constant 96 : index
    %swap3A_92 = tpu.vector_load %arg6[%swap3A_91] {strides = array<i32>} : memref<128xf32, #tpu.memory_space<vmem>>, vector<16xf32>,
    %swap3A_93 = vector.shape_cast %swap3A_92 : vector<16xf32> to vector<16xf32>
    %swap3A_94 = vector.shape_cast %broadcast_in_dim3A_90 : vector<16xf32> to vector<16xf32>
    tpu.vector_store %arg6[%swap3A_91], %swap3A_94 {strides = array<i32>} : memref<128xf32, #tpu.memory_space<vmem>>, vector<16xf32>,
    %broadcast_in_dim3A_95 = arith.constant 1.000000e+00 : f32
    %broadcast_in_dim3A_96 = vector.broadcast %broadcast_in_dim3A_95 : f32 to vector<16xf32>
    %swap3A_97 = arith.constant 112 : index
    %swap3A_98 = tpu.vector_load %arg6[%swap3A_97] {strides = array<i32>} : memref<128xf32, #tpu.memory_space<vmem>>, vector<16xf32>,
    %swap3A_99 = vector.shape_cast %swap3A_98 : vector<16xf32> to vector<16xf32>
    %swap3A_100 = vector.shape_cast %broadcast_in_dim3A_96 : vector<16xf32> to vector<16xf32>
    tpu.vector_store %arg6[%swap3A_97], %swap3A_100 {strides = array<i32>} : memref<128xf32, #tpu.memory_space<vmem>>, vector<16xf32>,
    %mul3A_101 = arith.constant 640 : i32
    %mul3A_102 = arith.muli %arg1, %mul3A_101 : i32
    %mul3A_103 = arith.constant 640 : i32
    %mul3A_104 = arith.muli %arg1, %mul3A_103 : i32
    "tpu.region"() ({
      %run_scoped3A = tpu.sem_alloc : memref<!tpu.dma_semaphore, #tpu.memory_space<semaphore_mem>>
      %dma_start3A = tpu.memref_slice %arg7[%mul3A_104] : memref<10240xf32, #tpu.memory_space<vmem_shared>> -> memref<640xf32, #tpu.memory_space<vmem_shared>>
      %dma_start3A_119 = tpu.memref_slice %arg3[%mul3A_102] : memref<10240xf32, #tpu.memory_space<hbm>> -> memref<640xf32, #tpu.memory_space<hbm>>
      tpu.enqueue_dma source(%dma_start3A_119 : memref<640xf32, #tpu.memory_space<hbm>>) target(%dma_start3A : memref<640xf32, #tpu.memory_space<vmem_shared>>) target_semaphore(%run_scoped3A : memref<!tpu.dma_semaphore, #tpu.memory_space<semaphore_mem>>)
      %dma_wait3A = tpu.memref_slice %arg7[%mul3A_104] : memref<10240xf32, #tpu.memory_space<vmem_shared>> -> memref<640xf32, #tpu.memory_space<vmem_shared>>
      %dma_wait3A_120 = tpu.memref_slice %arg3[%mul3A_102] : memref<10240xf32, #tpu.memory_space<hbm>> -> memref<640xf32, #tpu.memory_space<hbm>>
      tpu.wait_dma2 semaphore(%run_scoped3A : memref<!tpu.dma_semaphore, #tpu.memory_space<semaphore_mem>>) src(%dma_wait3A_120 : memref<640xf32, #tpu.memory_space<hbm>>) dst(%dma_wait3A : memref<640xf32, #tpu.memory_space<vmem_shared>>)
      tpu.yield
    }) : () -> ()
    "tpu.region"() ({
      %run_scoped3A = tpu.sem_alloc : memref<!tpu.dma_semaphore, #tpu.memory_space<semaphore_mem>>
      %dma_start3A = arith.constant 0 : i32
      %dma_start3A_119 = tpu.memref_slice %arg2[%mul3A_20, %dma_start3A] : memref<2504x128xi32, #tpu.memory_space<hbm>> -> memref<88x128xi32, #tpu.memory_space<hbm>>
      %dma_start3A_120 = arith.constant 0 : i32
      %dma_start3A_121 = tpu.memref_slice %arg2[%mul3A_20, %dma_start3A_120] : memref<2504x128xi32, #tpu.memory_space<hbm>> -> memref<88x128xi32, #tpu.memory_space<hbm>>
      tpu.enqueue_dma source(%dma_start3A_121 : memref<88x128xi32, #tpu.memory_space<hbm>>) target(%arg5 : memref<88x128xi32, #tpu.memory_space<vmem>>) target_semaphore(%run_scoped3A : memref<!tpu.dma_semaphore, #tpu.memory_space<semaphore_mem>>)
      %dma_wait3A = arith.constant 0 : i32
      %dma_wait3A_122 = tpu.memref_slice %arg2[%mul3A_20, %dma_wait3A] : memref<2504x128xi32, #tpu.memory_space<hbm>> -> memref<88x128xi32, #tpu.memory_space<hbm>>
      %dma_wait3A_123 = arith.constant 0 : i32
      %dma_wait3A_124 = tpu.memref_slice %arg2[%mul3A_20, %dma_wait3A_123] : memref<2504x128xi32, #tpu.memory_space<hbm>> -> memref<88x128xi32, #tpu.memory_space<hbm>>
      tpu.wait_dma2 semaphore(%run_scoped3A : memref<!tpu.dma_semaphore, #tpu.memory_space<semaphore_mem>>) src(%dma_wait3A_124 : memref<88x128xi32, #tpu.memory_space<hbm>>) dst(%arg5 : memref<88x128xi32, #tpu.memory_space<vmem>>)
      tpu.yield
    }) : () -> ()
    %barrier3A = arith.constant 0 : index
    tpu.barrier barrier_id(%barrier3A)
    %while3A = arith.constant 0 : i32
    %while3A_105 = arith.constant 0 : i32
    %while3A_106 = arith.subi %sub3A_54, %while3A_105 : i32
    %while3A_107 = arith.addi %while3A_105, %while3A_106 : i32
    %while3A_108 = arith.constant 1 : i32
    %while3A_109 = arith.divsi %while3A_106, %while3A_108 : i32
    %while3A_110 = arith.muli %while3A_109, %while3A_108 : i32
    %while3A_111 = arith.addi %while3A_105, %while3A_110 : i32
    %while3A_112 = arith.constant 1 : i32
    scf.for %while3A_119 = %while3A_105 to %while3A_111 step %while3A_112  : i32 {
      "tpu.region"() ({
        %run_scoped3A = tpu.sem_alloc : memref<!tpu.dma_semaphore, #tpu.memory_space<semaphore_mem>>
        %dma_start3A = arith.constant 0 : i32
        %dma_start3A_120 = tpu.memref_slice %arg5[%while3A_119, %dma_start3A] : memref<88x128xi32, #tpu.memory_space<vmem>> -> memref<1x128xi32, #tpu.memory_space<vmem>>
        %dma_start3A_121 = tpu.memref_squeeze %dma_start3A_120 : memref<1x128xi32, #tpu.memory_space<vmem>> -> memref<128xi32, #tpu.memory_space<vmem>>
        %dma_start3A_122 = arith.constant 0 : i32
        %dma_start3A_123 = tpu.memref_slice %arg7[%dma_start3A_122] : memref<10240xf32, #tpu.memory_space<vmem_shared>> -> memref<10240xf32, #tpu.memory_space<vmem_shared>>
        tpu.enqueue_indirect_dma source(%arg6 : memref<128xf32, #tpu.memory_space<vmem>>) target(%dma_start3A_123 : memref<10240xf32, #tpu.memory_space<vmem_shared>>) offsets(%dma_start3A_121 : memref<128xi32, #tpu.memory_space<vmem>>) semaphore(%run_scoped3A : memref<!tpu.dma_semaphore, #tpu.memory_space<semaphore_mem>>) {add = true}
        %dma_wait3A = arith.constant 0 : i32
        %dma_wait3A_124 = tpu.memref_slice %arg5[%while3A_119, %dma_wait3A] : memref<88x128xi32, #tpu.memory_space<vmem>> -> memref<1x128xi32, #tpu.memory_space<vmem>>
        %dma_wait3A_125 = tpu.memref_squeeze %dma_wait3A_124 : memref<1x128xi32, #tpu.memory_space<vmem>> -> memref<128xi32, #tpu.memory_space<vmem>>
        %dma_wait3A_126 = arith.constant 0 : i32
        %dma_wait3A_127 = tpu.memref_slice %arg7[%dma_wait3A_126] : memref<10240xf32, #tpu.memory_space<vmem_shared>> -> memref<10240xf32, #tpu.memory_space<vmem_shared>>
        tpu.wait_indirect_dma semaphore(%run_scoped3A : memref<!tpu.dma_semaphore, #tpu.memory_space<semaphore_mem>>) src(%arg6 : memref<128xf32, #tpu.memory_space<vmem>>) dst(%dma_wait3A_127 : memref<10240xf32, #tpu.memory_space<vmem_shared>>)
        tpu.yield
      }) : () -> ()
    }
    %while3A_113 = arith.constant 1 : i32
    scf.for %while3A_119 = %while3A_111 to %while3A_107 step %while3A_113  : i32 {
      "tpu.region"() ({
        %run_scoped3A = tpu.sem_alloc : memref<!tpu.dma_semaphore, #tpu.memory_space<semaphore_mem>>
        %dma_start3A = arith.constant 0 : i32
        %dma_start3A_120 = tpu.memref_slice %arg5[%while3A_119, %dma_start3A] : memref<88x128xi32, #tpu.memory_space<vmem>> -> memref<1x128xi32, #tpu.memory_space<vmem>>
        %dma_start3A_121 = tpu.memref_squeeze %dma_start3A_120 : memref<1x128xi32, #tpu.memory_space<vmem>> -> memref<128xi32, #tpu.memory_space<vmem>>
        %dma_start3A_122 = arith.constant 0 : i32
        %dma_start3A_123 = tpu.memref_slice %arg7[%dma_start3A_122] : memref<10240xf32, #tpu.memory_space<vmem_shared>> -> memref<10240xf32, #tpu.memory_space<vmem_shared>>
        tpu.enqueue_indirect_dma source(%arg6 : memref<128xf32, #tpu.memory_space<vmem>>) target(%dma_start3A_123 : memref<10240xf32, #tpu.memory_space<vmem_shared>>) offsets(%dma_start3A_121 : memref<128xi32, #tpu.memory_space<vmem>>) semaphore(%run_scoped3A : memref<!tpu.dma_semaphore, #tpu.memory_space<semaphore_mem>>) {add = true}
        %dma_wait3A = arith.constant 0 : i32
        %dma_wait3A_124 = tpu.memref_slice %arg5[%while3A_119, %dma_wait3A] : memref<88x128xi32, #tpu.memory_space<vmem>> -> memref<1x128xi32, #tpu.memory_space<vmem>>
        %dma_wait3A_125 = tpu.memref_squeeze %dma_wait3A_124 : memref<1x128xi32, #tpu.memory_space<vmem>> -> memref<128xi32, #tpu.memory_space<vmem>>
        %dma_wait3A_126 = arith.constant 0 : i32
        %dma_wait3A_127 = tpu.memref_slice %arg7[%dma_wait3A_126] : memref<10240xf32, #tpu.memory_space<vmem_shared>> -> memref<10240xf32, #tpu.memory_space<vmem_shared>>
        tpu.wait_indirect_dma semaphore(%run_scoped3A : memref<!tpu.dma_semaphore, #tpu.memory_space<semaphore_mem>>) src(%arg6 : memref<128xf32, #tpu.memory_space<vmem>>) dst(%dma_wait3A_127 : memref<10240xf32, #tpu.memory_space<vmem_shared>>)
        tpu.yield
      }) : () -> ()
    }
    %barrier3A_114 = arith.constant 0 : index
    tpu.barrier barrier_id(%barrier3A_114)
    %mul3A_115 = arith.constant 640 : i32
    %mul3A_116 = arith.muli %arg1, %mul3A_115 : i32
    %mul3A_117 = arith.constant 640 : i32
    %mul3A_118 = arith.muli %arg1, %mul3A_117 : i32
    "tpu.region"() ({
      %run_scoped3A = tpu.sem_alloc : memref<!tpu.dma_semaphore, #tpu.memory_space<semaphore_mem>>
      %dma_start3A = tpu.memref_slice %arg4[%arg0, %mul3A_118] : memref<2x10240xf32, #tpu.memory_space<hbm>> -> memref<1x640xf32, #tpu.memory_space<hbm>>
      %dma_start3A_119 = tpu.memref_squeeze %dma_start3A : memref<1x640xf32, #tpu.memory_space<hbm>> -> memref<640xf32, #tpu.memory_space<hbm>>
      %dma_start3A_120 = tpu.memref_slice %arg7[%mul3A_116] : memref<10240xf32, #tpu.memory_space<vmem_shared>> -> memref<640xf32, #tpu.memory_space<vmem_shared>>
      tpu.enqueue_dma source(%dma_start3A_120 : memref<640xf32, #tpu.memory_space<vmem_shared>>) target(%dma_start3A_119 : memref<640xf32, #tpu.memory_space<hbm>>) target_semaphore(%run_scoped3A : memref<!tpu.dma_semaphore, #tpu.memory_space<semaphore_mem>>)
      %dma_wait3A = tpu.memref_slice %arg4[%arg0, %mul3A_118] : memref<2x10240xf32, #tpu.memory_space<hbm>> -> memref<1x640xf32, #tpu.memory_space<hbm>>
      %dma_wait3A_121 = tpu.memref_squeeze %dma_wait3A : memref<1x640xf32, #tpu.memory_space<hbm>> -> memref<640xf32, #tpu.memory_space<hbm>>
      %dma_wait3A_122 = tpu.memref_slice %arg7[%mul3A_116] : memref<10240xf32, #tpu.memory_space<vmem_shared>> -> memref<640xf32, #tpu.memory_space<vmem_shared>>
      tpu.wait_dma2 semaphore(%run_scoped3A : memref<!tpu.dma_semaphore, #tpu.memory_space<semaphore_mem>>) src(%dma_wait3A_122 : memref<640xf32, #tpu.memory_space<vmem_shared>>) dst(%dma_wait3A_121 : memref<640xf32, #tpu.memory_space<hbm>>)
      tpu.yield
    }) : () -> ()
    return
  }
}

#map = affine_map<(d0, d1) -> (0, 0)>
#map1 = affine_map<(d0, d1) -> (0, 0, 0)>
module attributes {stable_mosaic.version = 14 : i64} {
  func.func @sc_gather_add(%arg0: i32, %arg1: i32, %arg2: memref<10240x64xf32, #tpu.memory_space<hbm>>, %arg3: memref<2504x128xi32, #tpu.memory_space<hbm>>, %arg4: memref<2504x128xi32, #tpu.memory_space<hbm>>, %arg5: memref<10240x64xf32, #tpu.memory_space<hbm>>, %arg6: memref<2x10240x64xf32, #tpu.memory_space<hbm>>, %arg7: memref<88x128xi32, #tpu.memory_space<vmem>>, %arg8: memref<88x128xi32, #tpu.memory_space<vmem>>, %arg9: memref<8x128x64xf32, #tpu.memory_space<vmem>>, %arg10: memref<10240x64xf32, #tpu.memory_space<vmem_shared>>, %arg11: memref<8x!tpu.dma_semaphore, #tpu.memory_space<semaphore_mem>>, %arg12: memref<8x!tpu.dma_semaphore, #tpu.memory_space<semaphore_mem>>) attributes {dimension_semantics = [#tpu.dimension_semantics<core_parallel>, #tpu.dimension_semantics<subcore_parallel>], iteration_bounds = array<i64: 2, 16>, scalar_prefetch = 0 : i64, scratch_operands = 6 : i64, tpu.core_type = #tpu.core_type<sc_vector_subcore>, window_params = [{transform_indices = #map}, {transform_indices = #map}, {transform_indices = #map}, {transform_indices = #map}, {transform_indices = #map1}]} {
    %mul3A = arith.constant 2 : i32
    %mul3A_0 = arith.muli %arg1, %mul3A : i32
    %add3A = arith.addi %mul3A_0, %arg0 : i32
    %mul3A_1 = arith.constant 2500 : i32
    %mul3A_2 = arith.muli %add3A, %mul3A_1 : i32
    %jit3A = arith.constant 256 : i32
    %div3A = arith.divsi %mul3A_2, %jit3A : i32
    %sign3A = arith.constant 0 : i32
    %sign3A_3 = arith.cmpi sgt, %mul3A_2, %sign3A : i32
    %sign3A_4 = arith.extui %sign3A_3 : i1 to i32
    %sign3A_5 = arith.constant 0 : i32
    %sign3A_6 = arith.cmpi slt, %mul3A_2, %sign3A_5 : i32
    %sign3A_7 = arith.extui %sign3A_6 : i1 to i32
    %sign3A_8 = arith.subi %sign3A_4, %sign3A_7 : i32
    %sign3A_9 = arith.constant 0 : i32
    %sign3A_10 = arith.cmpi sgt, %jit3A, %sign3A_9 : i32
    %sign3A_11 = arith.extui %sign3A_10 : i1 to i32
    %sign3A_12 = arith.constant 0 : i32
    %sign3A_13 = arith.cmpi slt, %jit3A, %sign3A_12 : i32
    %sign3A_14 = arith.extui %sign3A_13 : i1 to i32
    %sign3A_15 = arith.subi %sign3A_11, %sign3A_14 : i32
    %ne3A = arith.cmpi ne, %sign3A_8, %sign3A_15 : i32
    %rem3A = arith.remsi %mul3A_2, %jit3A : i32
    %ne3A_16 = arith.constant 0 : i32
    %ne3A_17 = arith.cmpi ne, %rem3A, %ne3A_16 : i32
    %and3A = arith.andi %ne3A, %ne3A_17 : i1
    %sub3A = arith.constant 1 : i32
    %sub3A_18 = arith.subi %div3A, %sub3A : i32
    %select_n3A = arith.select %and3A, %sub3A_18, %div3A : i32
    %mul3A_19 = arith.constant 8 : i32
    %mul3A_20 = arith.muli %select_n3A, %mul3A_19 : i32
    %add3A_21 = arith.constant 1 : i32
    %add3A_22 = arith.addi %add3A, %add3A_21 : i32
    %mul3A_23 = arith.constant 2500 : i32
    %mul3A_24 = arith.muli %add3A_22, %mul3A_23 : i32
    %jit3A_25 = arith.constant 256 : i32
    %div3A_26 = arith.divsi %mul3A_24, %jit3A_25 : i32
    %sign3A_27 = arith.constant 0 : i32
    %sign3A_28 = arith.cmpi sgt, %mul3A_24, %sign3A_27 : i32
    %sign3A_29 = arith.extui %sign3A_28 : i1 to i32
    %sign3A_30 = arith.constant 0 : i32
    %sign3A_31 = arith.cmpi slt, %mul3A_24, %sign3A_30 : i32
    %sign3A_32 = arith.extui %sign3A_31 : i1 to i32
    %sign3A_33 = arith.subi %sign3A_29, %sign3A_32 : i32
    %sign3A_34 = arith.constant 0 : i32
    %sign3A_35 = arith.cmpi sgt, %jit3A_25, %sign3A_34 : i32
    %sign3A_36 = arith.extui %sign3A_35 : i1 to i32
    %sign3A_37 = arith.constant 0 : i32
    %sign3A_38 = arith.cmpi slt, %jit3A_25, %sign3A_37 : i32
    %sign3A_39 = arith.extui %sign3A_38 : i1 to i32
    %sign3A_40 = arith.subi %sign3A_36, %sign3A_39 : i32
    %ne3A_41 = arith.cmpi ne, %sign3A_33, %sign3A_40 : i32
    %rem3A_42 = arith.remsi %mul3A_24, %jit3A_25 : i32
    %ne3A_43 = arith.constant 0 : i32
    %ne3A_44 = arith.cmpi ne, %rem3A_42, %ne3A_43 : i32
    %and3A_45 = arith.andi %ne3A_41, %ne3A_44 : i1
    %sub3A_46 = arith.constant 1 : i32
    %sub3A_47 = arith.subi %div3A_26, %sub3A_46 : i32
    %select_n3A_48 = arith.select %and3A_45, %sub3A_47, %div3A_26 : i32
    %mul3A_49 = arith.constant 8 : i32
    %mul3A_50 = arith.muli %select_n3A_48, %mul3A_49 : i32
    %eq3A = arith.constant 31 : i32
    %eq3A_51 = arith.cmpi eq, %add3A, %eq3A : i32
    %jit3A_52 = arith.constant 2500 : i32
    %select_n3A_53 = arith.select %eq3A_51, %jit3A_52, %mul3A_50 : i32
    %sub3A_54 = arith.subi %select_n3A_53, %mul3A_20 : i32
    %mul3A_55 = arith.constant 640 : i32
    %mul3A_56 = arith.muli %arg1, %mul3A_55 : i32
    %mul3A_57 = arith.constant 640 : i32
    %mul3A_58 = arith.muli %arg1, %mul3A_57 : i32
    "tpu.region"() ({
      %run_scoped3A = tpu.sem_alloc : memref<!tpu.dma_semaphore, #tpu.memory_space<semaphore_mem>>
      %dma_start3A_146 = arith.constant 0 : i32
      %dma_start3A_147 = tpu.memref_slice %arg10[%mul3A_58, %dma_start3A_146] : memref<10240x64xf32, #tpu.memory_space<vmem_shared>> -> memref<640x64xf32, #tpu.memory_space<vmem_shared>>
      %dma_start3A_148 = arith.constant 0 : i32
      %dma_start3A_149 = tpu.memref_slice %arg5[%mul3A_56, %dma_start3A_148] : memref<10240x64xf32, #tpu.memory_space<hbm>> -> memref<640x64xf32, #tpu.memory_space<hbm>>
      tpu.enqueue_dma source(%dma_start3A_149 : memref<640x64xf32, #tpu.memory_space<hbm>>) target(%dma_start3A_147 : memref<640x64xf32, #tpu.memory_space<vmem_shared>>) target_semaphore(%run_scoped3A : memref<!tpu.dma_semaphore, #tpu.memory_space<semaphore_mem>>)
      %dma_wait3A = arith.constant 0 : i32
      %dma_wait3A_150 = tpu.memref_slice %arg10[%mul3A_58, %dma_wait3A] : memref<10240x64xf32, #tpu.memory_space<vmem_shared>> -> memref<640x64xf32, #tpu.memory_space<vmem_shared>>
      %dma_wait3A_151 = arith.constant 0 : i32
      %dma_wait3A_152 = tpu.memref_slice %arg5[%mul3A_56, %dma_wait3A_151] : memref<10240x64xf32, #tpu.memory_space<hbm>> -> memref<640x64xf32, #tpu.memory_space<hbm>>
      tpu.wait_dma2 semaphore(%run_scoped3A : memref<!tpu.dma_semaphore, #tpu.memory_space<semaphore_mem>>) src(%dma_wait3A_152 : memref<640x64xf32, #tpu.memory_space<hbm>>) dst(%dma_wait3A_150 : memref<640x64xf32, #tpu.memory_space<vmem_shared>>)
      tpu.yield
    }) : () -> ()
    "tpu.region"() ({
      %run_scoped3A = tpu.sem_alloc : memref<!tpu.dma_semaphore, #tpu.memory_space<semaphore_mem>>
      %dma_start3A_146 = arith.constant 0 : i32
      %dma_start3A_147 = tpu.memref_slice %arg3[%mul3A_20, %dma_start3A_146] : memref<2504x128xi32, #tpu.memory_space<hbm>> -> memref<88x128xi32, #tpu.memory_space<hbm>>
      %dma_start3A_148 = arith.constant 0 : i32
      %dma_start3A_149 = tpu.memref_slice %arg3[%mul3A_20, %dma_start3A_148] : memref<2504x128xi32, #tpu.memory_space<hbm>> -> memref<88x128xi32, #tpu.memory_space<hbm>>
      tpu.enqueue_dma source(%dma_start3A_149 : memref<88x128xi32, #tpu.memory_space<hbm>>) target(%arg7 : memref<88x128xi32, #tpu.memory_space<vmem>>) target_semaphore(%run_scoped3A : memref<!tpu.dma_semaphore, #tpu.memory_space<semaphore_mem>>)
      %dma_wait3A = arith.constant 0 : i32
      %dma_wait3A_150 = tpu.memref_slice %arg3[%mul3A_20, %dma_wait3A] : memref<2504x128xi32, #tpu.memory_space<hbm>> -> memref<88x128xi32, #tpu.memory_space<hbm>>
      %dma_wait3A_151 = arith.constant 0 : i32
      %dma_wait3A_152 = tpu.memref_slice %arg3[%mul3A_20, %dma_wait3A_151] : memref<2504x128xi32, #tpu.memory_space<hbm>> -> memref<88x128xi32, #tpu.memory_space<hbm>>
      tpu.wait_dma2 semaphore(%run_scoped3A : memref<!tpu.dma_semaphore, #tpu.memory_space<semaphore_mem>>) src(%dma_wait3A_152 : memref<88x128xi32, #tpu.memory_space<hbm>>) dst(%arg7 : memref<88x128xi32, #tpu.memory_space<vmem>>)
      tpu.yield
    }) : () -> ()
    "tpu.region"() ({
      %run_scoped3A = tpu.sem_alloc : memref<!tpu.dma_semaphore, #tpu.memory_space<semaphore_mem>>
      %dma_start3A_146 = arith.constant 0 : i32
      %dma_start3A_147 = tpu.memref_slice %arg4[%mul3A_20, %dma_start3A_146] : memref<2504x128xi32, #tpu.memory_space<hbm>> -> memref<88x128xi32, #tpu.memory_space<hbm>>
      %dma_start3A_148 = arith.constant 0 : i32
      %dma_start3A_149 = tpu.memref_slice %arg4[%mul3A_20, %dma_start3A_148] : memref<2504x128xi32, #tpu.memory_space<hbm>> -> memref<88x128xi32, #tpu.memory_space<hbm>>
      tpu.enqueue_dma source(%dma_start3A_149 : memref<88x128xi32, #tpu.memory_space<hbm>>) target(%arg8 : memref<88x128xi32, #tpu.memory_space<vmem>>) target_semaphore(%run_scoped3A : memref<!tpu.dma_semaphore, #tpu.memory_space<semaphore_mem>>)
      %dma_wait3A = arith.constant 0 : i32
      %dma_wait3A_150 = tpu.memref_slice %arg4[%mul3A_20, %dma_wait3A] : memref<2504x128xi32, #tpu.memory_space<hbm>> -> memref<88x128xi32, #tpu.memory_space<hbm>>
      %dma_wait3A_151 = arith.constant 0 : i32
      %dma_wait3A_152 = tpu.memref_slice %arg4[%mul3A_20, %dma_wait3A_151] : memref<2504x128xi32, #tpu.memory_space<hbm>> -> memref<88x128xi32, #tpu.memory_space<hbm>>
      tpu.wait_dma2 semaphore(%run_scoped3A : memref<!tpu.dma_semaphore, #tpu.memory_space<semaphore_mem>>) src(%dma_wait3A_152 : memref<88x128xi32, #tpu.memory_space<hbm>>) dst(%arg8 : memref<88x128xi32, #tpu.memory_space<vmem>>)
      tpu.yield
    }) : () -> ()
    %barrier3A = arith.constant 0 : index
    tpu.barrier barrier_id(%barrier3A)
    %dma_start3A = arith.constant 0 : i32
    %dma_start3A_59 = arith.constant 0 : i32
    %dma_start3A_60 = arith.constant 0 : i32
    %dma_start3A_61 = arith.constant 0 : i32
    %dma_start3A_62 = arith.constant 0 : i32
    %dma_start3A_63 = tpu.memref_slice %arg9[%dma_start3A_59, %dma_start3A_61, %dma_start3A_62] : memref<8x128x64xf32, #tpu.memory_space<vmem>> -> memref<1x128x64xf32, #tpu.memory_space<vmem>>
    %dma_start3A_64 = tpu.memref_squeeze %dma_start3A_63 : memref<1x128x64xf32, #tpu.memory_space<vmem>> -> memref<128x64xf32, #tpu.memory_space<vmem>>
    %dma_start3A_65 = arith.constant 0 : i32
    %dma_start3A_66 = tpu.memref_slice %arg7[%dma_start3A, %dma_start3A_65] : memref<88x128xi32, #tpu.memory_space<vmem>> -> memref<1x128xi32, #tpu.memory_space<vmem>>
    %dma_start3A_67 = tpu.memref_squeeze %dma_start3A_66 : memref<1x128xi32, #tpu.memory_space<vmem>> -> memref<128xi32, #tpu.memory_space<vmem>>
    %dma_start3A_68 = arith.constant 0 : i32
    %dma_start3A_69 = arith.constant 0 : i32
    %dma_start3A_70 = tpu.memref_slice %arg2[%dma_start3A_68, %dma_start3A_69] : memref<10240x64xf32, #tpu.memory_space<hbm>> -> memref<10240x64xf32, #tpu.memory_space<hbm>>
    %dma_start3A_71 = tpu.memref_slice %arg11[%dma_start3A_60] : memref<8x!tpu.dma_semaphore, #tpu.memory_space<semaphore_mem>> -> memref<1x!tpu.dma_semaphore, #tpu.memory_space<semaphore_mem>>
    %dma_start3A_72 = tpu.memref_squeeze %dma_start3A_71 : memref<1x!tpu.dma_semaphore, #tpu.memory_space<semaphore_mem>> -> memref<!tpu.dma_semaphore, #tpu.memory_space<semaphore_mem>>
    tpu.enqueue_indirect_dma source(%dma_start3A_70 : memref<10240x64xf32, #tpu.memory_space<hbm>>) target(%dma_start3A_64 : memref<128x64xf32, #tpu.memory_space<vmem>>) offsets(%dma_start3A_67 : memref<128xi32, #tpu.memory_space<vmem>>) semaphore(%dma_start3A_72 : memref<!tpu.dma_semaphore, #tpu.memory_space<semaphore_mem>>)
    %dma_start3A_73 = arith.constant 1 : i32
    %dma_start3A_74 = arith.constant 1 : i32
    %dma_start3A_75 = arith.constant 1 : i32
    %dma_start3A_76 = arith.constant 0 : i32
    %dma_start3A_77 = arith.constant 0 : i32
    %dma_start3A_78 = tpu.memref_slice %arg9[%dma_start3A_74, %dma_start3A_76, %dma_start3A_77] : memref<8x128x64xf32, #tpu.memory_space<vmem>> -> memref<1x128x64xf32, #tpu.memory_space<vmem>>
    %dma_start3A_79 = tpu.memref_squeeze %dma_start3A_78 : memref<1x128x64xf32, #tpu.memory_space<vmem>> -> memref<128x64xf32, #tpu.memory_space<vmem>>
    %dma_start3A_80 = arith.constant 0 : i32
    %dma_start3A_81 = tpu.memref_slice %arg7[%dma_start3A_73, %dma_start3A_80] : memref<88x128xi32, #tpu.memory_space<vmem>> -> memref<1x128xi32, #tpu.memory_space<vmem>>
    %dma_start3A_82 = tpu.memref_squeeze %dma_start3A_81 : memref<1x128xi32, #tpu.memory_space<vmem>> -> memref<128xi32, #tpu.memory_space<vmem>>
    %dma_start3A_83 = arith.constant 0 : i32
    %dma_start3A_84 = arith.constant 0 : i32
    %dma_start3A_85 = tpu.memref_slice %arg2[%dma_start3A_83, %dma_start3A_84] : memref<10240x64xf32, #tpu.memory_space<hbm>> -> memref<10240x64xf32, #tpu.memory_space<hbm>>
    %dma_start3A_86 = tpu.memref_slice %arg11[%dma_start3A_75] : memref<8x!tpu.dma_semaphore, #tpu.memory_space<semaphore_mem>> -> memref<1x!tpu.dma_semaphore, #tpu.memory_space<semaphore_mem>>
    %dma_start3A_87 = tpu.memref_squeeze %dma_start3A_86 : memref<1x!tpu.dma_semaphore, #tpu.memory_space<semaphore_mem>> -> memref<!tpu.dma_semaphore, #tpu.memory_space<semaphore_mem>>
    tpu.enqueue_indirect_dma source(%dma_start3A_85 : memref<10240x64xf32, #tpu.memory_space<hbm>>) target(%dma_start3A_79 : memref<128x64xf32, #tpu.memory_space<vmem>>) offsets(%dma_start3A_82 : memref<128xi32, #tpu.memory_space<vmem>>) semaphore(%dma_start3A_87 : memref<!tpu.dma_semaphore, #tpu.memory_space<semaphore_mem>>)
    %dma_start3A_88 = arith.constant 2 : i32
    %dma_start3A_89 = arith.constant 2 : i32
    %dma_start3A_90 = arith.constant 2 : i32
    %dma_start3A_91 = arith.constant 0 : i32
    %dma_start3A_92 = arith.constant 0 : i32
    %dma_start3A_93 = tpu.memref_slice %arg9[%dma_start3A_89, %dma_start3A_91, %dma_start3A_92] : memref<8x128x64xf32, #tpu.memory_space<vmem>> -> memref<1x128x64xf32, #tpu.memory_space<vmem>>
    %dma_start3A_94 = tpu.memref_squeeze %dma_start3A_93 : memref<1x128x64xf32, #tpu.memory_space<vmem>> -> memref<128x64xf32, #tpu.memory_space<vmem>>
    %dma_start3A_95 = arith.constant 0 : i32
    %dma_start3A_96 = tpu.memref_slice %arg7[%dma_start3A_88, %dma_start3A_95] : memref<88x128xi32, #tpu.memory_space<vmem>> -> memref<1x128xi32, #tpu.memory_space<vmem>>
    %dma_start3A_97 = tpu.memref_squeeze %dma_start3A_96 : memref<1x128xi32, #tpu.memory_space<vmem>> -> memref<128xi32, #tpu.memory_space<vmem>>
    %dma_start3A_98 = arith.constant 0 : i32
    %dma_start3A_99 = arith.constant 0 : i32
    %dma_start3A_100 = tpu.memref_slice %arg2[%dma_start3A_98, %dma_start3A_99] : memref<10240x64xf32, #tpu.memory_space<hbm>> -> memref<10240x64xf32, #tpu.memory_space<hbm>>
    %dma_start3A_101 = tpu.memref_slice %arg11[%dma_start3A_90] : memref<8x!tpu.dma_semaphore, #tpu.memory_space<semaphore_mem>> -> memref<1x!tpu.dma_semaphore, #tpu.memory_space<semaphore_mem>>
    %dma_start3A_102 = tpu.memref_squeeze %dma_start3A_101 : memref<1x!tpu.dma_semaphore, #tpu.memory_space<semaphore_mem>> -> memref<!tpu.dma_semaphore, #tpu.memory_space<semaphore_mem>>
    tpu.enqueue_indirect_dma source(%dma_start3A_100 : memref<10240x64xf32, #tpu.memory_space<hbm>>) target(%dma_start3A_94 : memref<128x64xf32, #tpu.memory_space<vmem>>) offsets(%dma_start3A_97 : memref<128xi32, #tpu.memory_space<vmem>>) semaphore(%dma_start3A_102 : memref<!tpu.dma_semaphore, #tpu.memory_space<semaphore_mem>>)
    %dma_start3A_103 = arith.constant 3 : i32
    %dma_start3A_104 = arith.constant 3 : i32
    %dma_start3A_105 = arith.constant 3 : i32
    %dma_start3A_106 = arith.constant 0 : i32
    %dma_start3A_107 = arith.constant 0 : i32
    %dma_start3A_108 = tpu.memref_slice %arg9[%dma_start3A_104, %dma_start3A_106, %dma_start3A_107] : memref<8x128x64xf32, #tpu.memory_space<vmem>> -> memref<1x128x64xf32, #tpu.memory_space<vmem>>
    %dma_start3A_109 = tpu.memref_squeeze %dma_start3A_108 : memref<1x128x64xf32, #tpu.memory_space<vmem>> -> memref<128x64xf32, #tpu.memory_space<vmem>>
    %dma_start3A_110 = arith.constant 0 : i32
    %dma_start3A_111 = tpu.memref_slice %arg7[%dma_start3A_103, %dma_start3A_110] : memref<88x128xi32, #tpu.memory_space<vmem>> -> memref<1x128xi32, #tpu.memory_space<vmem>>
    %dma_start3A_112 = tpu.memref_squeeze %dma_start3A_111 : memref<1x128xi32, #tpu.memory_space<vmem>> -> memref<128xi32, #tpu.memory_space<vmem>>
    %dma_start3A_113 = arith.constant 0 : i32
    %dma_start3A_114 = arith.constant 0 : i32
    %dma_start3A_115 = tpu.memref_slice %arg2[%dma_start3A_113, %dma_start3A_114] : memref<10240x64xf32, #tpu.memory_space<hbm>> -> memref<10240x64xf32, #tpu.memory_space<hbm>>
    %dma_start3A_116 = tpu.memref_slice %arg11[%dma_start3A_105] : memref<8x!tpu.dma_semaphore, #tpu.memory_space<semaphore_mem>> -> memref<1x!tpu.dma_semaphore, #tpu.memory_space<semaphore_mem>>
    %dma_start3A_117 = tpu.memref_squeeze %dma_start3A_116 : memref<1x!tpu.dma_semaphore, #tpu.memory_space<semaphore_mem>> -> memref<!tpu.dma_semaphore, #tpu.memory_space<semaphore_mem>>
    tpu.enqueue_indirect_dma source(%dma_start3A_115 : memref<10240x64xf32, #tpu.memory_space<hbm>>) target(%dma_start3A_109 : memref<128x64xf32, #tpu.memory_space<vmem>>) offsets(%dma_start3A_112 : memref<128xi32, #tpu.memory_space<vmem>>) semaphore(%dma_start3A_117 : memref<!tpu.dma_semaphore, #tpu.memory_space<semaphore_mem>>)
    %while3A = arith.constant 0 : i32
    %while3A_118 = arith.constant 0 : i32
    %while3A_119 = arith.subi %sub3A_54, %while3A_118 : i32
    %while3A_120 = arith.addi %while3A_118, %while3A_119 : i32
    %while3A_121 = arith.constant 1 : i32
    %while3A_122 = arith.divsi %while3A_119, %while3A_121 : i32
    %while3A_123 = arith.muli %while3A_122, %while3A_121 : i32
    %while3A_124 = arith.addi %while3A_118, %while3A_123 : i32
    %while3A_125 = arith.constant 1 : i32
    scf.for %while3A_146 = %while3A_118 to %while3A_124 step %while3A_125  : i32 {
      %rem3A_147 = arith.constant 8 : i32
      %rem3A_148 = arith.remsi %while3A_146, %rem3A_147 : i32
      %dma_wait3A = arith.constant 0 : i32
      %dma_wait3A_149 = arith.constant 0 : i32
      %dma_wait3A_150 = tpu.memref_slice %arg9[%rem3A_148, %dma_wait3A, %dma_wait3A_149] : memref<8x128x64xf32, #tpu.memory_space<vmem>> -> memref<1x128x64xf32, #tpu.memory_space<vmem>>
      %dma_wait3A_151 = tpu.memref_squeeze %dma_wait3A_150 : memref<1x128x64xf32, #tpu.memory_space<vmem>> -> memref<128x64xf32, #tpu.memory_space<vmem>>
      %dma_wait3A_152 = arith.constant 0 : i32
      %dma_wait3A_153 = tpu.memref_slice %arg7[%while3A_146, %dma_wait3A_152] : memref<88x128xi32, #tpu.memory_space<vmem>> -> memref<1x128xi32, #tpu.memory_space<vmem>>
      %dma_wait3A_154 = tpu.memref_squeeze %dma_wait3A_153 : memref<1x128xi32, #tpu.memory_space<vmem>> -> memref<128xi32, #tpu.memory_space<vmem>>
      %dma_wait3A_155 = arith.constant 0 : i32
      %dma_wait3A_156 = arith.constant 0 : i32
      %dma_wait3A_157 = tpu.memref_slice %arg2[%dma_wait3A_155, %dma_wait3A_156] : memref<10240x64xf32, #tpu.memory_space<hbm>> -> memref<10240x64xf32, #tpu.memory_space<hbm>>
      %dma_wait3A_158 = tpu.memref_slice %arg11[%rem3A_148] : memref<8x!tpu.dma_semaphore, #tpu.memory_space<semaphore_mem>> -> memref<1x!tpu.dma_semaphore, #tpu.memory_space<semaphore_mem>>
      %dma_wait3A_159 = tpu.memref_squeeze %dma_wait3A_158 : memref<1x!tpu.dma_semaphore, #tpu.memory_space<semaphore_mem>> -> memref<!tpu.dma_semaphore, #tpu.memory_space<semaphore_mem>>
      tpu.wait_indirect_dma semaphore(%dma_wait3A_159 : memref<!tpu.dma_semaphore, #tpu.memory_space<semaphore_mem>>) src(%dma_wait3A_157 : memref<10240x64xf32, #tpu.memory_space<hbm>>) dst(%dma_wait3A_151 : memref<128x64xf32, #tpu.memory_space<vmem>>)
      %dma_start3A_160 = arith.constant 0 : i32
      %dma_start3A_161 = arith.constant 0 : i32
      %dma_start3A_162 = tpu.memref_slice %arg9[%rem3A_148, %dma_start3A_160, %dma_start3A_161] : memref<8x128x64xf32, #tpu.memory_space<vmem>> -> memref<1x128x64xf32, #tpu.memory_space<vmem>>
      %dma_start3A_163 = tpu.memref_squeeze %dma_start3A_162 : memref<1x128x64xf32, #tpu.memory_space<vmem>> -> memref<128x64xf32, #tpu.memory_space<vmem>>
      %dma_start3A_164 = arith.constant 0 : i32
      %dma_start3A_165 = tpu.memref_slice %arg8[%while3A_146, %dma_start3A_164] : memref<88x128xi32, #tpu.memory_space<vmem>> -> memref<1x128xi32, #tpu.memory_space<vmem>>
      %dma_start3A_166 = tpu.memref_squeeze %dma_start3A_165 : memref<1x128xi32, #tpu.memory_space<vmem>> -> memref<128xi32, #tpu.memory_space<vmem>>
      %dma_start3A_167 = arith.constant 0 : i32
      %dma_start3A_168 = arith.constant 0 : i32
      %dma_start3A_169 = tpu.memref_slice %arg10[%dma_start3A_167, %dma_start3A_168] : memref<10240x64xf32, #tpu.memory_space<vmem_shared>> -> memref<10240x64xf32, #tpu.memory_space<vmem_shared>>
      %dma_start3A_170 = tpu.memref_slice %arg12[%rem3A_148] : memref<8x!tpu.dma_semaphore, #tpu.memory_space<semaphore_mem>> -> memref<1x!tpu.dma_semaphore, #tpu.memory_space<semaphore_mem>>
      %dma_start3A_171 = tpu.memref_squeeze %dma_start3A_170 : memref<1x!tpu.dma_semaphore, #tpu.memory_space<semaphore_mem>> -> memref<!tpu.dma_semaphore, #tpu.memory_space<semaphore_mem>>
      tpu.enqueue_indirect_dma source(%dma_start3A_163 : memref<128x64xf32, #tpu.memory_space<vmem>>) target(%dma_start3A_169 : memref<10240x64xf32, #tpu.memory_space<vmem_shared>>) offsets(%dma_start3A_166 : memref<128xi32, #tpu.memory_space<vmem>>) semaphore(%dma_start3A_171 : memref<!tpu.dma_semaphore, #tpu.memory_space<semaphore_mem>>) {add = true}
      %sub3A_172 = arith.constant 4 : i32
      %sub3A_173 = arith.subi %while3A_146, %sub3A_172 : i32
      %add3A_174 = arith.constant 4 : i32
      %add3A_175 = arith.addi %while3A_146, %add3A_174 : i32
      %lt3A = arith.cmpi slt, %add3A_175, %sub3A_54 : i32
      %convert_element_type3A = arith.extui %lt3A : i1 to i32
      %cond3A = arith.constant 0 : i32
      %cond3A_176 = arith.cmpi ne, %convert_element_type3A, %cond3A : i32
      scf.if %cond3A_176 {
        %rem3A_177 = arith.constant 8 : i32
        %rem3A_178 = arith.remsi %add3A_175, %rem3A_177 : i32
        %ge3A = arith.constant 0 : i32
        %ge3A_179 = arith.cmpi sge, %sub3A_173, %ge3A : i32
        %convert_element_type3A_180 = arith.extui %ge3A_179 : i1 to i32
        %cond3A_181 = arith.constant 0 : i32
        %cond3A_182 = arith.cmpi ne, %convert_element_type3A_180, %cond3A_181 : i32
        scf.if %cond3A_182 {
          %dma_wait3A_195 = arith.constant 0 : i32
          %dma_wait3A_196 = arith.constant 0 : i32
          %dma_wait3A_197 = tpu.memref_slice %arg9[%rem3A_178, %dma_wait3A_195, %dma_wait3A_196] : memref<8x128x64xf32, #tpu.memory_space<vmem>> -> memref<1x128x64xf32, #tpu.memory_space<vmem>>
          %dma_wait3A_198 = tpu.memref_squeeze %dma_wait3A_197 : memref<1x128x64xf32, #tpu.memory_space<vmem>> -> memref<128x64xf32, #tpu.memory_space<vmem>>
          %dma_wait3A_199 = arith.constant 0 : i32
          %dma_wait3A_200 = tpu.memref_slice %arg8[%while3A_146, %dma_wait3A_199] : memref<88x128xi32, #tpu.memory_space<vmem>> -> memref<1x128xi32, #tpu.memory_space<vmem>>
          %dma_wait3A_201 = tpu.memref_squeeze %dma_wait3A_200 : memref<1x128xi32, #tpu.memory_space<vmem>> -> memref<128xi32, #tpu.memory_space<vmem>>
          %dma_wait3A_202 = arith.constant 0 : i32
          %dma_wait3A_203 = arith.constant 0 : i32
          %dma_wait3A_204 = tpu.memref_slice %arg10[%dma_wait3A_202, %dma_wait3A_203] : memref<10240x64xf32, #tpu.memory_space<vmem_shared>> -> memref<10240x64xf32, #tpu.memory_space<vmem_shared>>
          %dma_wait3A_205 = tpu.memref_slice %arg12[%rem3A_178] : memref<8x!tpu.dma_semaphore, #tpu.memory_space<semaphore_mem>> -> memref<1x!tpu.dma_semaphore, #tpu.memory_space<semaphore_mem>>
          %dma_wait3A_206 = tpu.memref_squeeze %dma_wait3A_205 : memref<1x!tpu.dma_semaphore, #tpu.memory_space<semaphore_mem>> -> memref<!tpu.dma_semaphore, #tpu.memory_space<semaphore_mem>>
          tpu.wait_indirect_dma semaphore(%dma_wait3A_206 : memref<!tpu.dma_semaphore, #tpu.memory_space<semaphore_mem>>) src(%dma_wait3A_198 : memref<128x64xf32, #tpu.memory_space<vmem>>) dst(%dma_wait3A_204 : memref<10240x64xf32, #tpu.memory_space<vmem_shared>>)
        } else {
        }
        %dma_start3A_183 = arith.constant 0 : i32
        %dma_start3A_184 = arith.constant 0 : i32
        %dma_start3A_185 = tpu.memref_slice %arg9[%rem3A_178, %dma_start3A_183, %dma_start3A_184] : memref<8x128x64xf32, #tpu.memory_space<vmem>> -> memref<1x128x64xf32, #tpu.memory_space<vmem>>
        %dma_start3A_186 = tpu.memref_squeeze %dma_start3A_185 : memref<1x128x64xf32, #tpu.memory_space<vmem>> -> memref<128x64xf32, #tpu.memory_space<vmem>>
        %dma_start3A_187 = arith.constant 0 : i32
        %dma_start3A_188 = tpu.memref_slice %arg7[%add3A_175, %dma_start3A_187] : memref<88x128xi32, #tpu.memory_space<vmem>> -> memref<1x128xi32, #tpu.memory_space<vmem>>
        %dma_start3A_189 = tpu.memref_squeeze %dma_start3A_188 : memref<1x128xi32, #tpu.memory_space<vmem>> -> memref<128xi32, #tpu.memory_space<vmem>>
        %dma_start3A_190 = arith.constant 0 : i32
        %dma_start3A_191 = arith.constant 0 : i32
        %dma_start3A_192 = tpu.memref_slice %arg2[%dma_start3A_190, %dma_start3A_191] : memref<10240x64xf32, #tpu.memory_space<hbm>> -> memref<10240x64xf32, #tpu.memory_space<hbm>>
        %dma_start3A_193 = tpu.memref_slice %arg11[%rem3A_178] : memref<8x!tpu.dma_semaphore, #tpu.memory_space<semaphore_mem>> -> memref<1x!tpu.dma_semaphore, #tpu.memory_space<semaphore_mem>>
        %dma_start3A_194 = tpu.memref_squeeze %dma_start3A_193 : memref<1x!tpu.dma_semaphore, #tpu.memory_space<semaphore_mem>> -> memref<!tpu.dma_semaphore, #tpu.memory_space<semaphore_mem>>
        tpu.enqueue_indirect_dma source(%dma_start3A_192 : memref<10240x64xf32, #tpu.memory_space<hbm>>) target(%dma_start3A_186 : memref<128x64xf32, #tpu.memory_space<vmem>>) offsets(%dma_start3A_189 : memref<128xi32, #tpu.memory_space<vmem>>) semaphore(%dma_start3A_194 : memref<!tpu.dma_semaphore, #tpu.memory_space<semaphore_mem>>)
      } else {
      }
    }
    %while3A_126 = arith.constant 1 : i32
    scf.for %while3A_146 = %while3A_124 to %while3A_120 step %while3A_126  : i32 {
      %rem3A_147 = arith.constant 8 : i32
      %rem3A_148 = arith.remsi %while3A_146, %rem3A_147 : i32
      %dma_wait3A = arith.constant 0 : i32
      %dma_wait3A_149 = arith.constant 0 : i32
      %dma_wait3A_150 = tpu.memref_slice %arg9[%rem3A_148, %dma_wait3A, %dma_wait3A_149] : memref<8x128x64xf32, #tpu.memory_space<vmem>> -> memref<1x128x64xf32, #tpu.memory_space<vmem>>
      %dma_wait3A_151 = tpu.memref_squeeze %dma_wait3A_150 : memref<1x128x64xf32, #tpu.memory_space<vmem>> -> memref<128x64xf32, #tpu.memory_space<vmem>>
      %dma_wait3A_152 = arith.constant 0 : i32
      %dma_wait3A_153 = tpu.memref_slice %arg7[%while3A_146, %dma_wait3A_152] : memref<88x128xi32, #tpu.memory_space<vmem>> -> memref<1x128xi32, #tpu.memory_space<vmem>>
      %dma_wait3A_154 = tpu.memref_squeeze %dma_wait3A_153 : memref<1x128xi32, #tpu.memory_space<vmem>> -> memref<128xi32, #tpu.memory_space<vmem>>
      %dma_wait3A_155 = arith.constant 0 : i32
      %dma_wait3A_156 = arith.constant 0 : i32
      %dma_wait3A_157 = tpu.memref_slice %arg2[%dma_wait3A_155, %dma_wait3A_156] : memref<10240x64xf32, #tpu.memory_space<hbm>> -> memref<10240x64xf32, #tpu.memory_space<hbm>>
      %dma_wait3A_158 = tpu.memref_slice %arg11[%rem3A_148] : memref<8x!tpu.dma_semaphore, #tpu.memory_space<semaphore_mem>> -> memref<1x!tpu.dma_semaphore, #tpu.memory_space<semaphore_mem>>
      %dma_wait3A_159 = tpu.memref_squeeze %dma_wait3A_158 : memref<1x!tpu.dma_semaphore, #tpu.memory_space<semaphore_mem>> -> memref<!tpu.dma_semaphore, #tpu.memory_space<semaphore_mem>>
      tpu.wait_indirect_dma semaphore(%dma_wait3A_159 : memref<!tpu.dma_semaphore, #tpu.memory_space<semaphore_mem>>) src(%dma_wait3A_157 : memref<10240x64xf32, #tpu.memory_space<hbm>>) dst(%dma_wait3A_151 : memref<128x64xf32, #tpu.memory_space<vmem>>)
      %dma_start3A_160 = arith.constant 0 : i32
      %dma_start3A_161 = arith.constant 0 : i32
      %dma_start3A_162 = tpu.memref_slice %arg9[%rem3A_148, %dma_start3A_160, %dma_start3A_161] : memref<8x128x64xf32, #tpu.memory_space<vmem>> -> memref<1x128x64xf32, #tpu.memory_space<vmem>>
      %dma_start3A_163 = tpu.memref_squeeze %dma_start3A_162 : memref<1x128x64xf32, #tpu.memory_space<vmem>> -> memref<128x64xf32, #tpu.memory_space<vmem>>
      %dma_start3A_164 = arith.constant 0 : i32
      %dma_start3A_165 = tpu.memref_slice %arg8[%while3A_146, %dma_start3A_164] : memref<88x128xi32, #tpu.memory_space<vmem>> -> memref<1x128xi32, #tpu.memory_space<vmem>>
      %dma_start3A_166 = tpu.memref_squeeze %dma_start3A_165 : memref<1x128xi32, #tpu.memory_space<vmem>> -> memref<128xi32, #tpu.memory_space<vmem>>
      %dma_start3A_167 = arith.constant 0 : i32
      %dma_start3A_168 = arith.constant 0 : i32
      %dma_start3A_169 = tpu.memref_slice %arg10[%dma_start3A_167, %dma_start3A_168] : memref<10240x64xf32, #tpu.memory_space<vmem_shared>> -> memref<10240x64xf32, #tpu.memory_space<vmem_shared>>
      %dma_start3A_170 = tpu.memref_slice %arg12[%rem3A_148] : memref<8x!tpu.dma_semaphore, #tpu.memory_space<semaphore_mem>> -> memref<1x!tpu.dma_semaphore, #tpu.memory_space<semaphore_mem>>
      %dma_start3A_171 = tpu.memref_squeeze %dma_start3A_170 : memref<1x!tpu.dma_semaphore, #tpu.memory_space<semaphore_mem>> -> memref<!tpu.dma_semaphore, #tpu.memory_space<semaphore_mem>>
      tpu.enqueue_indirect_dma source(%dma_start3A_163 : memref<128x64xf32, #tpu.memory_space<vmem>>) target(%dma_start3A_169 : memref<10240x64xf32, #tpu.memory_space<vmem_shared>>) offsets(%dma_start3A_166 : memref<128xi32, #tpu.memory_space<vmem>>) semaphore(%dma_start3A_171 : memref<!tpu.dma_semaphore, #tpu.memory_space<semaphore_mem>>) {add = true}
      %sub3A_172 = arith.constant 4 : i32
      %sub3A_173 = arith.subi %while3A_146, %sub3A_172 : i32
      %add3A_174 = arith.constant 4 : i32
      %add3A_175 = arith.addi %while3A_146, %add3A_174 : i32
      %lt3A = arith.cmpi slt, %add3A_175, %sub3A_54 : i32
      %convert_element_type3A = arith.extui %lt3A : i1 to i32
      %cond3A = arith.constant 0 : i32
      %cond3A_176 = arith.cmpi ne, %convert_element_type3A, %cond3A : i32
      scf.if %cond3A_176 {
        %rem3A_177 = arith.constant 8 : i32
        %rem3A_178 = arith.remsi %add3A_175, %rem3A_177 : i32
        %ge3A = arith.constant 0 : i32
        %ge3A_179 = arith.cmpi sge, %sub3A_173, %ge3A : i32
        %convert_element_type3A_180 = arith.extui %ge3A_179 : i1 to i32
        %cond3A_181 = arith.constant 0 : i32
        %cond3A_182 = arith.cmpi ne, %convert_element_type3A_180, %cond3A_181 : i32
        scf.if %cond3A_182 {
          %dma_wait3A_195 = arith.constant 0 : i32
          %dma_wait3A_196 = arith.constant 0 : i32
          %dma_wait3A_197 = tpu.memref_slice %arg9[%rem3A_178, %dma_wait3A_195, %dma_wait3A_196] : memref<8x128x64xf32, #tpu.memory_space<vmem>> -> memref<1x128x64xf32, #tpu.memory_space<vmem>>
          %dma_wait3A_198 = tpu.memref_squeeze %dma_wait3A_197 : memref<1x128x64xf32, #tpu.memory_space<vmem>> -> memref<128x64xf32, #tpu.memory_space<vmem>>
          %dma_wait3A_199 = arith.constant 0 : i32
          %dma_wait3A_200 = tpu.memref_slice %arg8[%while3A_146, %dma_wait3A_199] : memref<88x128xi32, #tpu.memory_space<vmem>> -> memref<1x128xi32, #tpu.memory_space<vmem>>
          %dma_wait3A_201 = tpu.memref_squeeze %dma_wait3A_200 : memref<1x128xi32, #tpu.memory_space<vmem>> -> memref<128xi32, #tpu.memory_space<vmem>>
          %dma_wait3A_202 = arith.constant 0 : i32
          %dma_wait3A_203 = arith.constant 0 : i32
          %dma_wait3A_204 = tpu.memref_slice %arg10[%dma_wait3A_202, %dma_wait3A_203] : memref<10240x64xf32, #tpu.memory_space<vmem_shared>> -> memref<10240x64xf32, #tpu.memory_space<vmem_shared>>
          %dma_wait3A_205 = tpu.memref_slice %arg12[%rem3A_178] : memref<8x!tpu.dma_semaphore, #tpu.memory_space<semaphore_mem>> -> memref<1x!tpu.dma_semaphore, #tpu.memory_space<semaphore_mem>>
          %dma_wait3A_206 = tpu.memref_squeeze %dma_wait3A_205 : memref<1x!tpu.dma_semaphore, #tpu.memory_space<semaphore_mem>> -> memref<!tpu.dma_semaphore, #tpu.memory_space<semaphore_mem>>
          tpu.wait_indirect_dma semaphore(%dma_wait3A_206 : memref<!tpu.dma_semaphore, #tpu.memory_space<semaphore_mem>>) src(%dma_wait3A_198 : memref<128x64xf32, #tpu.memory_space<vmem>>) dst(%dma_wait3A_204 : memref<10240x64xf32, #tpu.memory_space<vmem_shared>>)
        } else {
        }
        %dma_start3A_183 = arith.constant 0 : i32
        %dma_start3A_184 = arith.constant 0 : i32
        %dma_start3A_185 = tpu.memref_slice %arg9[%rem3A_178, %dma_start3A_183, %dma_start3A_184] : memref<8x128x64xf32, #tpu.memory_space<vmem>> -> memref<1x128x64xf32, #tpu.memory_space<vmem>>
        %dma_start3A_186 = tpu.memref_squeeze %dma_start3A_185 : memref<1x128x64xf32, #tpu.memory_space<vmem>> -> memref<128x64xf32, #tpu.memory_space<vmem>>
        %dma_start3A_187 = arith.constant 0 : i32
        %dma_start3A_188 = tpu.memref_slice %arg7[%add3A_175, %dma_start3A_187] : memref<88x128xi32, #tpu.memory_space<vmem>> -> memref<1x128xi32, #tpu.memory_space<vmem>>
        %dma_start3A_189 = tpu.memref_squeeze %dma_start3A_188 : memref<1x128xi32, #tpu.memory_space<vmem>> -> memref<128xi32, #tpu.memory_space<vmem>>
        %dma_start3A_190 = arith.constant 0 : i32
        %dma_start3A_191 = arith.constant 0 : i32
        %dma_start3A_192 = tpu.memref_slice %arg2[%dma_start3A_190, %dma_start3A_191] : memref<10240x64xf32, #tpu.memory_space<hbm>> -> memref<10240x64xf32, #tpu.memory_space<hbm>>
        %dma_start3A_193 = tpu.memref_slice %arg11[%rem3A_178] : memref<8x!tpu.dma_semaphore, #tpu.memory_space<semaphore_mem>> -> memref<1x!tpu.dma_semaphore, #tpu.memory_space<semaphore_mem>>
        %dma_start3A_194 = tpu.memref_squeeze %dma_start3A_193 : memref<1x!tpu.dma_semaphore, #tpu.memory_space<semaphore_mem>> -> memref<!tpu.dma_semaphore, #tpu.memory_space<semaphore_mem>>
        tpu.enqueue_indirect_dma source(%dma_start3A_192 : memref<10240x64xf32, #tpu.memory_space<hbm>>) target(%dma_start3A_186 : memref<128x64xf32, #tpu.memory_space<vmem>>) offsets(%dma_start3A_189 : memref<128xi32, #tpu.memory_space<vmem>>) semaphore(%dma_start3A_194 : memref<!tpu.dma_semaphore, #tpu.memory_space<semaphore_mem>>)
      } else {
      }
    }
    %sub3A_127 = arith.constant 4 : i32
    %sub3A_128 = arith.subi %sub3A_54, %sub3A_127 : i32
    %sub3A_129 = arith.constant 4 : i32
    %sub3A_130 = arith.subi %sub3A_128, %sub3A_129 : i32
    %max3A = arith.constant 0 : i32
    %max3A_131 = arith.maxsi %max3A, %sub3A_130 : i32
    %while3A_132 = arith.constant 0 : i32
    %while3A_133 = arith.subi %sub3A_54, %max3A_131 : i32
    %while3A_134 = arith.addi %max3A_131, %while3A_133 : i32
    %while3A_135 = arith.constant 1 : i32
    %while3A_136 = arith.divsi %while3A_133, %while3A_135 : i32
    %while3A_137 = arith.muli %while3A_136, %while3A_135 : i32
    %while3A_138 = arith.addi %max3A_131, %while3A_137 : i32
    %while3A_139 = arith.constant 1 : i32
    scf.for %while3A_146 = %max3A_131 to %while3A_138 step %while3A_139  : i32 {
      %rem3A_147 = arith.constant 8 : i32
      %rem3A_148 = arith.remsi %while3A_146, %rem3A_147 : i32
      %rem3A_149 = arith.constant 8 : i32
      %rem3A_150 = arith.remsi %while3A_146, %rem3A_149 : i32
      %dma_wait3A = arith.constant 0 : i32
      %dma_wait3A_151 = arith.constant 0 : i32
      %dma_wait3A_152 = arith.constant 0 : i32
      %dma_wait3A_153 = tpu.memref_slice %arg9[%rem3A_148, %dma_wait3A_151, %dma_wait3A_152] : memref<8x128x64xf32, #tpu.memory_space<vmem>> -> memref<1x128x64xf32, #tpu.memory_space<vmem>>
      %dma_wait3A_154 = tpu.memref_squeeze %dma_wait3A_153 : memref<1x128x64xf32, #tpu.memory_space<vmem>> -> memref<128x64xf32, #tpu.memory_space<vmem>>
      %dma_wait3A_155 = arith.constant 0 : i32
      %dma_wait3A_156 = tpu.memref_slice %arg8[%dma_wait3A, %dma_wait3A_155] : memref<88x128xi32, #tpu.memory_space<vmem>> -> memref<1x128xi32, #tpu.memory_space<vmem>>
      %dma_wait3A_157 = tpu.memref_squeeze %dma_wait3A_156 : memref<1x128xi32, #tpu.memory_space<vmem>> -> memref<128xi32, #tpu.memory_space<vmem>>
      %dma_wait3A_158 = arith.constant 0 : i32
      %dma_wait3A_159 = arith.constant 0 : i32
      %dma_wait3A_160 = tpu.memref_slice %arg10[%dma_wait3A_158, %dma_wait3A_159] : memref<10240x64xf32, #tpu.memory_space<vmem_shared>> -> memref<10240x64xf32, #tpu.memory_space<vmem_shared>>
      %dma_wait3A_161 = tpu.memref_slice %arg12[%rem3A_150] : memref<8x!tpu.dma_semaphore, #tpu.memory_space<semaphore_mem>> -> memref<1x!tpu.dma_semaphore, #tpu.memory_space<semaphore_mem>>
      %dma_wait3A_162 = tpu.memref_squeeze %dma_wait3A_161 : memref<1x!tpu.dma_semaphore, #tpu.memory_space<semaphore_mem>> -> memref<!tpu.dma_semaphore, #tpu.memory_space<semaphore_mem>>
      tpu.wait_indirect_dma semaphore(%dma_wait3A_162 : memref<!tpu.dma_semaphore, #tpu.memory_space<semaphore_mem>>) src(%dma_wait3A_154 : memref<128x64xf32, #tpu.memory_space<vmem>>) dst(%dma_wait3A_160 : memref<10240x64xf32, #tpu.memory_space<vmem_shared>>)
    }
    %while3A_140 = arith.constant 1 : i32
    scf.for %while3A_146 = %while3A_138 to %while3A_134 step %while3A_140  : i32 {
      %rem3A_147 = arith.constant 8 : i32
      %rem3A_148 = arith.remsi %while3A_146, %rem3A_147 : i32
      %rem3A_149 = arith.constant 8 : i32
      %rem3A_150 = arith.remsi %while3A_146, %rem3A_149 : i32
      %dma_wait3A = arith.constant 0 : i32
      %dma_wait3A_151 = arith.constant 0 : i32
      %dma_wait3A_152 = arith.constant 0 : i32
      %dma_wait3A_153 = tpu.memref_slice %arg9[%rem3A_148, %dma_wait3A_151, %dma_wait3A_152] : memref<8x128x64xf32, #tpu.memory_space<vmem>> -> memref<1x128x64xf32, #tpu.memory_space<vmem>>
      %dma_wait3A_154 = tpu.memref_squeeze %dma_wait3A_153 : memref<1x128x64xf32, #tpu.memory_space<vmem>> -> memref<128x64xf32, #tpu.memory_space<vmem>>
      %dma_wait3A_155 = arith.constant 0 : i32
      %dma_wait3A_156 = tpu.memref_slice %arg8[%dma_wait3A, %dma_wait3A_155] : memref<88x128xi32, #tpu.memory_space<vmem>> -> memref<1x128xi32, #tpu.memory_space<vmem>>
      %dma_wait3A_157 = tpu.memref_squeeze %dma_wait3A_156 : memref<1x128xi32, #tpu.memory_space<vmem>> -> memref<128xi32, #tpu.memory_space<vmem>>
      %dma_wait3A_158 = arith.constant 0 : i32
      %dma_wait3A_159 = arith.constant 0 : i32
      %dma_wait3A_160 = tpu.memref_slice %arg10[%dma_wait3A_158, %dma_wait3A_159] : memref<10240x64xf32, #tpu.memory_space<vmem_shared>> -> memref<10240x64xf32, #tpu.memory_space<vmem_shared>>
      %dma_wait3A_161 = tpu.memref_slice %arg12[%rem3A_150] : memref<8x!tpu.dma_semaphore, #tpu.memory_space<semaphore_mem>> -> memref<1x!tpu.dma_semaphore, #tpu.memory_space<semaphore_mem>>
      %dma_wait3A_162 = tpu.memref_squeeze %dma_wait3A_161 : memref<1x!tpu.dma_semaphore, #tpu.memory_space<semaphore_mem>> -> memref<!tpu.dma_semaphore, #tpu.memory_space<semaphore_mem>>
      tpu.wait_indirect_dma semaphore(%dma_wait3A_162 : memref<!tpu.dma_semaphore, #tpu.memory_space<semaphore_mem>>) src(%dma_wait3A_154 : memref<128x64xf32, #tpu.memory_space<vmem>>) dst(%dma_wait3A_160 : memref<10240x64xf32, #tpu.memory_space<vmem_shared>>)
    }
    %barrier3A_141 = arith.constant 0 : index
    tpu.barrier barrier_id(%barrier3A_141)
    %mul3A_142 = arith.constant 640 : i32
    %mul3A_143 = arith.muli %arg1, %mul3A_142 : i32
    %mul3A_144 = arith.constant 640 : i32
    %mul3A_145 = arith.muli %arg1, %mul3A_144 : i32
    "tpu.region"() ({
      %run_scoped3A = tpu.sem_alloc : memref<!tpu.dma_semaphore, #tpu.memory_space<semaphore_mem>>
      %dma_start3A_146 = arith.constant 0 : i32
      %dma_start3A_147 = tpu.memref_slice %arg6[%arg0, %mul3A_145, %dma_start3A_146] : memref<2x10240x64xf32, #tpu.memory_space<hbm>> -> memref<1x640x64xf32, #tpu.memory_space<hbm>>
      %dma_start3A_148 = tpu.memref_squeeze %dma_start3A_147 : memref<1x640x64xf32, #tpu.memory_space<hbm>> -> memref<640x64xf32, #tpu.memory_space<hbm>>
      %dma_start3A_149 = arith.constant 0 : i32
      %dma_start3A_150 = tpu.memref_slice %arg10[%mul3A_143, %dma_start3A_149] : memref<10240x64xf32, #tpu.memory_space<vmem_shared>> -> memref<640x64xf32, #tpu.memory_space<vmem_shared>>
      tpu.enqueue_dma source(%dma_start3A_150 : memref<640x64xf32, #tpu.memory_space<vmem_shared>>) target(%dma_start3A_148 : memref<640x64xf32, #tpu.memory_space<hbm>>) target_semaphore(%run_scoped3A : memref<!tpu.dma_semaphore, #tpu.memory_space<semaphore_mem>>)
      %dma_wait3A = arith.constant 0 : i32
      %dma_wait3A_151 = tpu.memref_slice %arg6[%arg0, %mul3A_145, %dma_wait3A] : memref<2x10240x64xf32, #tpu.memory_space<hbm>> -> memref<1x640x64xf32, #tpu.memory_space<hbm>>
      %dma_wait3A_152 = tpu.memref_squeeze %dma_wait3A_151 : memref<1x640x64xf32, #tpu.memory_space<hbm>> -> memref<640x64xf32, #tpu.memory_space<hbm>>
      %dma_wait3A_153 = arith.constant 0 : i32
      %dma_wait3A_154 = tpu.memref_slice %arg10[%mul3A_143, %dma_wait3A_153] : memref<10240x64xf32, #tpu.memory_space<vmem_shared>> -> memref<640x64xf32, #tpu.memory_space<vmem_shared>>
      tpu.wait_dma2 semaphore(%run_scoped3A : memref<!tpu.dma_semaphore, #tpu.memory_space<semaphore_mem>>) src(%dma_wait3A_154 : memref<640x64xf32, #tpu.memory_space<vmem_shared>>) dst(%dma_wait3A_152 : memref<640x64xf32, #tpu.memory_space<hbm>>)
      tpu.yield
    }) : () -> ()
    return
  }
}

module attributes {stable_mosaic.version = 14 : i64} {
  func.func @_dt_body(%arg0: memref<2x320000xi32, #tpu.memory_space<vmem>>, %arg1: memref<2x2504x128xi32, #tpu.memory_space<vmem>>) attributes {dimension_semantics = [], scalar_prefetch = 0 : i64, scratch_operands = 0 : i64, tpu.core_type = #tpu.core_type<tc>} {
    %get3A = arith.constant 0 : index
    %get3A_0 = arith.constant 0 : index
    %get3A_1 = vector.load %arg0[%get3A, %get3A_0] : memref<2x320000xi32, #tpu.memory_space<vmem>>, vector<2x320000xi32>
    %reshape3A = vector.shape_cast %get3A_1 : vector<2x320000xi32> to vector<2x2500x128xi32>
    %broadcast_in_dim3A = arith.constant 0 : i32
    %broadcast_in_dim3A_2 = vector.broadcast %broadcast_in_dim3A : i32 to vector<2x4x128xi32>
    %concatenate3A = tpu.concatenate %reshape3A, %broadcast_in_dim3A_2 in 1 : vector<2x2500x128xi32>, vector<2x4x128xi32> -> vector<2x2504x128xi32>
    %swap3A = arith.constant 0 : index
    %swap3A_3 = arith.constant 0 : index
    %swap3A_4 = arith.constant 0 : index
    %swap3A_5 = vector.load %arg1[%swap3A, %swap3A_3, %swap3A_4] : memref<2x2504x128xi32, #tpu.memory_space<vmem>>, vector<2x2504x128xi32>
    tpu.vector_store %arg1[%swap3A, %swap3A_3, %swap3A_4], %concatenate3A {strides = array<i32>} : memref<2x2504x128xi32, #tpu.memory_space<vmem>>, vector<2x2504x128xi32>,
    return
  }
}

module attributes {stable_mosaic.version = 14 : i64} {
  func.func @_t1_body(%arg0: i32, %arg1: memref<2x2048xf32, #tpu.memory_space<vmem>>, %arg2: memref<2048x128xf32, #tpu.memory_space<vmem>>, %arg3: memref<128x64xf32, #tpu.memory_space<vmem>>, %arg4: memref<2048x64xf32, #tpu.memory_space<vmem>>) attributes {dimension_semantics = [#tpu.dimension_semantics<arbitrary>], iteration_bounds = array<i64: 5>, scalar_prefetch = 0 : i64, scratch_operands = 0 : i64, tpu.core_type = #tpu.core_type<tc>, window_params = [{transform_indices = @transform_0, window_bounds = array<i64: 2, 2048>}, {transform_indices = @transform_1, window_bounds = array<i64: 2048, 128>}, {pipeline_mode = #tpu.pipeline_mode<synchronous>, transform_indices = @transform_2, window_bounds = array<i64: 128, 64>}, {transform_indices = @transform_3, window_bounds = array<i64: 2048, 64>}]} {
    %get3A = arith.constant 0 : index
    %get3A_0 = arith.constant 0 : index
    %get3A_1 = vector.load %arg2[%get3A, %get3A_0] : memref<2048x128xf32, #tpu.memory_space<vmem>>, vector<2048x128xf32>
    %get3A_2 = arith.constant 0 : index
    %get3A_3 = arith.constant 0 : index
    %get3A_4 = vector.load %arg3[%get3A_2, %get3A_3] : memref<128x64xf32, #tpu.memory_space<vmem>>, vector<128x64xf32>
    %dot_general3A = arith.constant dense<0.000000e+00> : vector<2048x64xf32>
    %dot_general3A_5 = tpu.matmul %get3A_1, %get3A_4, %dot_general3A {dimension_numbers = #tpu.dot_dimension_numbers<[1], [0], [0], [1], [0, 0, 1, 1], [], []>, transpose_lhs_hint = false} : vector<2048x128xf32>, vector<128x64xf32>, vector<2048x64xf32> -> vector<2048x64xf32>
    %get3A_6 = arith.constant 0 : index
    %get3A_7 = arith.constant 0 : index
    %get3A_8 = vector.load %arg1[%get3A_6, %get3A_7] : memref<2x2048xf32, #tpu.memory_space<vmem>>, vector<1x2048xf32>
    %get3A_9 = vector.shape_cast %get3A_8 : vector<1x2048xf32> to vector<2048xf32>
    %get3A_10 = arith.constant 1 : index
    %get3A_11 = arith.constant 0 : index
    %get3A_12 = vector.load %arg1[%get3A_10, %get3A_11] : memref<2x2048xf32, #tpu.memory_space<vmem>>, vector<1x2048xf32>
    %get3A_13 = vector.shape_cast %get3A_12 : vector<1x2048xf32> to vector<2048xf32>
    %add3A = arith.addf %get3A_9, %get3A_13 : vector<2048xf32>
    %add3A_14 = arith.constant 1.000000e+00 : f32
    %add3A_15 = vector.broadcast %add3A_14 : f32 to vector<2048xf32>
    %add3A_16 = arith.addf %add3A, %add3A_15 : vector<2048xf32>
    %rsqrt3A = math.rsqrt %add3A_16 : vector<2048xf32>
    %broadcast_in_dim3A = vector.shape_cast %rsqrt3A : vector<2048xf32> to vector<2048x1xf32>
    %mul3A = vector.broadcast %broadcast_in_dim3A : vector<2048x1xf32> to vector<2048x64xf32>
    %mul3A_17 = arith.mulf %dot_general3A_5, %mul3A : vector<2048x64xf32>
    %swap3A = arith.constant 0 : index
    %swap3A_18 = arith.constant 0 : index
    %swap3A_19 = vector.load %arg4[%swap3A, %swap3A_18] : memref<2048x64xf32, #tpu.memory_space<vmem>>, vector<2048x64xf32>
    tpu.vector_store %arg4[%swap3A, %swap3A_18], %mul3A_17 {strides = array<i32>} : memref<2048x64xf32, #tpu.memory_space<vmem>>, vector<2048x64xf32>,
    return
  }
  func.func @transform_0(%arg0: i32) -> (i32, i32) {
    %c0_i32 = arith.constant 0 : i32
    %c0_i32_0 = arith.constant 0 : i32
    return %c0_i32, %arg0 : i32, i32
  }
  func.func @transform_1(%arg0: i32) -> (i32, i32) {
    %c0_i32 = arith.constant 0 : i32
    %c0_i32_0 = arith.constant 0 : i32
    return %arg0, %c0_i32 : i32, i32
  }
  func.func @transform_2(%arg0: i32) -> (i32, i32) {
    %c0_i32 = arith.constant 0 : i32
    %c0_i32_0 = arith.constant 0 : i32
    %c0_i32_1 = arith.constant 0 : i32
    return %c0_i32, %c0_i32_0 : i32, i32
  }
  func.func @transform_3(%arg0: i32) -> (i32, i32) {
    %c0_i32 = arith.constant 0 : i32
    %c0_i32_0 = arith.constant 0 : i32
    return %arg0, %c0_i32 : i32, i32
  }
}

module attributes {stable_mosaic.version = 14 : i64} {
  func.func @_t2_body(%arg0: i32, %arg1: memref<2x2048xf32, #tpu.memory_space<vmem>>, %arg2: memref<2x2048x64xf32, #tpu.memory_space<vmem>>, %arg3: memref<2048x64xf32, #tpu.memory_space<vmem>>, %arg4: memref<1x64xf32, #tpu.memory_space<vmem>>, %arg5: memref<64x48xf32, #tpu.memory_space<vmem>>, %arg6: memref<2048x48xf32, #tpu.memory_space<vmem>>) attributes {dimension_semantics = [#tpu.dimension_semantics<arbitrary>], iteration_bounds = array<i64: 5>, scalar_prefetch = 0 : i64, scratch_operands = 0 : i64, tpu.core_type = #tpu.core_type<tc>, window_params = [{transform_indices = @transform_0, window_bounds = array<i64: 2, 2048>}, {transform_indices = @transform_1, window_bounds = array<i64: 2, 2048, 64>}, {transform_indices = @transform_2, window_bounds = array<i64: 2048, 64>}, {pipeline_mode = #tpu.pipeline_mode<synchronous>, transform_indices = @transform_3, window_bounds = array<i64: 1, 64>}, {pipeline_mode = #tpu.pipeline_mode<synchronous>, transform_indices = @transform_4, window_bounds = array<i64: 64, 48>}, {transform_indices = @transform_5, window_bounds = array<i64: 2048, 48>}]} {
    %get3A = arith.constant 0 : index
    %get3A_0 = arith.constant 0 : index
    %get3A_1 = vector.load %arg1[%get3A, %get3A_0] : memref<2x2048xf32, #tpu.memory_space<vmem>>, vector<1x2048xf32>
    %get3A_2 = vector.shape_cast %get3A_1 : vector<1x2048xf32> to vector<2048xf32>
    %get3A_3 = arith.constant 1 : index
    %get3A_4 = arith.constant 0 : index
    %get3A_5 = vector.load %arg1[%get3A_3, %get3A_4] : memref<2x2048xf32, #tpu.memory_space<vmem>>, vector<1x2048xf32>
    %get3A_6 = vector.shape_cast %get3A_5 : vector<1x2048xf32> to vector<2048xf32>
    %add3A = arith.addf %get3A_2, %get3A_6 : vector<2048xf32>
    %add3A_7 = arith.constant 1.000000e+00 : f32
    %add3A_8 = vector.broadcast %add3A_7 : f32 to vector<2048xf32>
    %add3A_9 = arith.addf %add3A, %add3A_8 : vector<2048xf32>
    %rsqrt3A = math.rsqrt %add3A_9 : vector<2048xf32>
    %broadcast_in_dim3A = vector.shape_cast %rsqrt3A : vector<2048xf32> to vector<2048x1xf32>
    %get3A_10 = arith.constant 0 : index
    %get3A_11 = arith.constant 0 : index
    %get3A_12 = arith.constant 0 : index
    %get3A_13 = vector.load %arg2[%get3A_10, %get3A_11, %get3A_12] : memref<2x2048x64xf32, #tpu.memory_space<vmem>>, vector<1x2048x64xf32>
    %get3A_14 = vector.shape_cast %get3A_13 : vector<1x2048x64xf32> to vector<2048x64xf32>
    %get3A_15 = arith.constant 1 : index
    %get3A_16 = arith.constant 0 : index
    %get3A_17 = arith.constant 0 : index
    %get3A_18 = vector.load %arg2[%get3A_15, %get3A_16, %get3A_17] : memref<2x2048x64xf32, #tpu.memory_space<vmem>>, vector<1x2048x64xf32>
    %get3A_19 = vector.shape_cast %get3A_18 : vector<1x2048x64xf32> to vector<2048x64xf32>
    %add3A_20 = arith.addf %get3A_14, %get3A_19 : vector<2048x64xf32>
    %get3A_21 = arith.constant 0 : index
    %get3A_22 = arith.constant 0 : index
    %get3A_23 = vector.load %arg3[%get3A_21, %get3A_22] : memref<2048x64xf32, #tpu.memory_space<vmem>>, vector<2048x64xf32>
    %add3A_24 = arith.addf %add3A_20, %get3A_23 : vector<2048x64xf32>
    %mul3A = vector.broadcast %broadcast_in_dim3A : vector<2048x1xf32> to vector<2048x64xf32>
    %mul3A_25 = arith.mulf %add3A_24, %mul3A : vector<2048x64xf32>
    %get3A_26 = arith.constant 0 : index
    %get3A_27 = arith.constant 0 : index
    %get3A_28 = vector.load %arg4[%get3A_26, %get3A_27] : memref<1x64xf32, #tpu.memory_space<vmem>>, vector<1x64xf32>
    %add3A_29 = vector.broadcast %get3A_28 : vector<1x64xf32> to vector<2048x64xf32>
    %add3A_30 = arith.addf %mul3A_25, %add3A_29 : vector<2048x64xf32>
    %max3A = arith.constant 0.000000e+00 : f32
    %max3A_31 = vector.broadcast %max3A : f32 to vector<2048x64xf32>
    %max3A_32 = arith.maximumf %add3A_30, %max3A_31 : vector<2048x64xf32>
    %get3A_33 = arith.constant 0 : index
    %get3A_34 = arith.constant 0 : index
    %get3A_35 = vector.load %arg5[%get3A_33, %get3A_34] : memref<64x48xf32, #tpu.memory_space<vmem>>, vector<64x48xf32>
    %dot_general3A = arith.constant dense<0.000000e+00> : vector<2048x48xf32>
    %dot_general3A_36 = tpu.matmul %max3A_32, %get3A_35, %dot_general3A {dimension_numbers = #tpu.dot_dimension_numbers<[1], [0], [0], [1], [0, 0, 1, 1], [], []>, transpose_lhs_hint = false} : vector<2048x64xf32>, vector<64x48xf32>, vector<2048x48xf32> -> vector<2048x48xf32>
    %mul3A_37 = vector.broadcast %broadcast_in_dim3A : vector<2048x1xf32> to vector<2048x48xf32>
    %mul3A_38 = arith.mulf %dot_general3A_36, %mul3A_37 : vector<2048x48xf32>
    %swap3A = arith.constant 0 : index
    %swap3A_39 = arith.constant 0 : index
    %swap3A_40 = vector.load %arg6[%swap3A, %swap3A_39] : memref<2048x48xf32, #tpu.memory_space<vmem>>, vector<2048x48xf32>
    tpu.vector_store %arg6[%swap3A, %swap3A_39], %mul3A_38 {strides = array<i32>} : memref<2048x48xf32, #tpu.memory_space<vmem>>, vector<2048x48xf32>,
    return
  }
  func.func @transform_0(%arg0: i32) -> (i32, i32) {
    %c0_i32 = arith.constant 0 : i32
    %c0_i32_0 = arith.constant 0 : i32
    return %c0_i32, %arg0 : i32, i32
  }
  func.func @transform_1(%arg0: i32) -> (i32, i32, i32) {
    %c0_i32 = arith.constant 0 : i32
    %c0_i32_0 = arith.constant 0 : i32
    %c0_i32_1 = arith.constant 0 : i32
    return %c0_i32, %arg0, %c0_i32_0 : i32, i32, i32
  }
  func.func @transform_2(%arg0: i32) -> (i32, i32) {
    %c0_i32 = arith.constant 0 : i32
    %c0_i32_0 = arith.constant 0 : i32
    return %arg0, %c0_i32 : i32, i32
  }
  func.func @transform_3(%arg0: i32) -> (i32, i32) {
    %c0_i32 = arith.constant 0 : i32
    %c0_i32_0 = arith.constant 0 : i32
    %c0_i32_1 = arith.constant 0 : i32
    return %c0_i32, %c0_i32_0 : i32, i32
  }
  func.func @transform_4(%arg0: i32) -> (i32, i32) {
    %c0_i32 = arith.constant 0 : i32
    %c0_i32_0 = arith.constant 0 : i32
    %c0_i32_1 = arith.constant 0 : i32
    return %c0_i32, %c0_i32_0 : i32, i32
  }
  func.func @transform_5(%arg0: i32) -> (i32, i32) {
    %c0_i32 = arith.constant 0 : i32
    %c0_i32_0 = arith.constant 0 : i32
    return %arg0, %c0_i32 : i32, i32
  }
}

module attributes {stable_mosaic.version = 14 : i64} {
  func.func @_t3_body(%arg0: i32, %arg1: memref<2x2048xf32, #tpu.memory_space<vmem>>, %arg2: memref<2x2048x48xf32, #tpu.memory_space<vmem>>, %arg3: memref<2048x48xf32, #tpu.memory_space<vmem>>, %arg4: memref<1x48xf32, #tpu.memory_space<vmem>>, %arg5: memref<2048x40xf32, #tpu.memory_space<vmem>>) attributes {dimension_semantics = [#tpu.dimension_semantics<arbitrary>], iteration_bounds = array<i64: 5>, scalar_prefetch = 0 : i64, scratch_operands = 0 : i64, tpu.core_type = #tpu.core_type<tc>, window_params = [{transform_indices = @transform_0, window_bounds = array<i64: 2, 2048>}, {transform_indices = @transform_1, window_bounds = array<i64: 2, 2048, 48>}, {transform_indices = @transform_2, window_bounds = array<i64: 2048, 48>}, {pipeline_mode = #tpu.pipeline_mode<synchronous>, transform_indices = @transform_3, window_bounds = array<i64: 1, 48>}, {transform_indices = @transform_4, window_bounds = array<i64: 2048, 40>}]} {
    %get3A = arith.constant 0 : index
    %get3A_0 = arith.constant 0 : index
    %get3A_1 = arith.constant 0 : index
    %get3A_2 = vector.load %arg2[%get3A, %get3A_0, %get3A_1] : memref<2x2048x48xf32, #tpu.memory_space<vmem>>, vector<1x2048x48xf32>
    %get3A_3 = vector.shape_cast %get3A_2 : vector<1x2048x48xf32> to vector<2048x48xf32>
    %get3A_4 = arith.constant 1 : index
    %get3A_5 = arith.constant 0 : index
    %get3A_6 = arith.constant 0 : index
    %get3A_7 = vector.load %arg2[%get3A_4, %get3A_5, %get3A_6] : memref<2x2048x48xf32, #tpu.memory_space<vmem>>, vector<1x2048x48xf32>
    %get3A_8 = vector.shape_cast %get3A_7 : vector<1x2048x48xf32> to vector<2048x48xf32>
    %add3A = arith.addf %get3A_3, %get3A_8 : vector<2048x48xf32>
    %get3A_9 = arith.constant 0 : index
    %get3A_10 = arith.constant 0 : index
    %get3A_11 = vector.load %arg3[%get3A_9, %get3A_10] : memref<2048x48xf32, #tpu.memory_space<vmem>>, vector<2048x48xf32>
    %add3A_12 = arith.addf %add3A, %get3A_11 : vector<2048x48xf32>
    %get3A_13 = arith.constant 0 : index
    %get3A_14 = arith.constant 0 : index
    %get3A_15 = vector.load %arg1[%get3A_13, %get3A_14] : memref<2x2048xf32, #tpu.memory_space<vmem>>, vector<1x2048xf32>
    %get3A_16 = vector.shape_cast %get3A_15 : vector<1x2048xf32> to vector<2048xf32>
    %get3A_17 = arith.constant 1 : index
    %get3A_18 = arith.constant 0 : index
    %get3A_19 = vector.load %arg1[%get3A_17, %get3A_18] : memref<2x2048xf32, #tpu.memory_space<vmem>>, vector<1x2048xf32>
    %get3A_20 = vector.shape_cast %get3A_19 : vector<1x2048xf32> to vector<2048xf32>
    %add3A_21 = arith.addf %get3A_16, %get3A_20 : vector<2048xf32>
    %add3A_22 = arith.constant 1.000000e+00 : f32
    %add3A_23 = vector.broadcast %add3A_22 : f32 to vector<2048xf32>
    %add3A_24 = arith.addf %add3A_21, %add3A_23 : vector<2048xf32>
    %rsqrt3A = math.rsqrt %add3A_24 : vector<2048xf32>
    %broadcast_in_dim3A = vector.shape_cast %rsqrt3A : vector<2048xf32> to vector<2048x1xf32>
    %mul3A = vector.broadcast %broadcast_in_dim3A : vector<2048x1xf32> to vector<2048x48xf32>
    %mul3A_25 = arith.mulf %add3A_12, %mul3A : vector<2048x48xf32>
    %get3A_26 = arith.constant 0 : index
    %get3A_27 = arith.constant 0 : index
    %get3A_28 = vector.load %arg4[%get3A_26, %get3A_27] : memref<1x48xf32, #tpu.memory_space<vmem>>, vector<1x48xf32>
    %add3A_29 = vector.broadcast %get3A_28 : vector<1x48xf32> to vector<2048x48xf32>
    %add3A_30 = arith.addf %mul3A_25, %add3A_29 : vector<2048x48xf32>
    %slice3A = vector.extract_strided_slice %add3A_30 {offsets = [0, 0], sizes = [2048, 40], strides = [1, 1]} : vector<2048x48xf32> to vector<2048x40xf32>
    %swap3A = arith.constant 0 : index
    %swap3A_31 = arith.constant 0 : index
    %swap3A_32 = vector.load %arg5[%swap3A, %swap3A_31] : memref<2048x40xf32, #tpu.memory_space<vmem>>, vector<2048x40xf32>
    tpu.vector_store %arg5[%swap3A, %swap3A_31], %slice3A {strides = array<i32>} : memref<2048x40xf32, #tpu.memory_space<vmem>>, vector<2048x40xf32>,
    return
  }
  func.func @transform_0(%arg0: i32) -> (i32, i32) {
    %c0_i32 = arith.constant 0 : i32
    %c0_i32_0 = arith.constant 0 : i32
    return %c0_i32, %arg0 : i32, i32
  }
  func.func @transform_1(%arg0: i32) -> (i32, i32, i32) {
    %c0_i32 = arith.constant 0 : i32
    %c0_i32_0 = arith.constant 0 : i32
    %c0_i32_1 = arith.constant 0 : i32
    return %c0_i32, %arg0, %c0_i32_0 : i32, i32, i32
  }
  func.func @transform_2(%arg0: i32) -> (i32, i32) {
    %c0_i32 = arith.constant 0 : i32
    %c0_i32_0 = arith.constant 0 : i32
    return %arg0, %c0_i32 : i32, i32
  }
  func.func @transform_3(%arg0: i32) -> (i32, i32) {
    %c0_i32 = arith.constant 0 : i32
    %c0_i32_0 = arith.constant 0 : i32
    %c0_i32_1 = arith.constant 0 : i32
    return %c0_i32, %c0_i32_0 : i32, i32
  }
  func.func @transform_4(%arg0: i32) -> (i32, i32) {
    %c0_i32 = arith.constant 0 : i32
    %c0_i32_0 = arith.constant 0 : i32
    return %arg0, %c0_i32 : i32, i32
  }
}

</mosaic_0001>

<sc_bundles>
// kernel: kernel.12.cloned.1.call-start
scs
__scs_entry_jumppad:
0x0: {  	(pc) =	sbr.rel $0x88, $3  }
0x1: {  	(tag) =	ssettag $0x0;
	lr =	simm.s32 $0x1  }
0x2: {  	[smem:$0x3F9B] =	sst lr;
	_ =	strace $0xD0000000  }
0x3: {  	_ = 	snop  }
0x4: {  	_ = 	snop  }
0x5: {  	_ = 	snop  }
0x6: {  	_ = 	snop  }
0x7: {  	_ = 	snop  }
__scs_overlays_trampoline_lowered:
0x8: {  	[smem:$0x3FAA] =	sst s0  }
0x9: {  	[smem:$0x3FAB] =	sst s1  }
0xa: {  	[smem:$0x3FAC] =	sst s2  }
0xb: {  	[smem:$0x3FAD] =	sst s3  }
0xc: {  	[smem:$0x3FAE] =	sst s4  }
0xd: {  	[smem:$0x3FAF] =	sst s5  }
0xe: {  	[smem:$0x3FB0] =	sst s6  }
0xf: {  	[smem:$0x3FB1] =	sst s7  }
0x10: {  	[smem:$0x3FB2] =	sst s8  }
0x11: {  	[smem:$0x3FB3] =	sst s9;
	s0 =	simm.s32 @!p0 $0x0  }
0x12: {  	s1 =	sld [smem:$0x3F99];
	s0 =	simm.s32 @p0 $0x1  }
0x13: {  	[smem:$0x3FB4] =	sst s0;
	s0 =	simm.s32 @!p1 $0x0  }
0x14: {  	s2 =	sld [smem:$0x3F98];
	s0 =	simm.s32 @p1 $0x1  }
0x15: {  	[smem:$0x3FB5] =	sst s0;
	s0 =	simm.s32 @!p2 $0x0  }
0x16: {  	s3 =	sld [smem:$0x3FDB];
	s0 =	simm.s32 @p2 $0x1  }
0x17: {  	s4 =	simm.s32 $0x1BF5;
	[smem:$0x3FB7] =	sst s0  }
0x18: {  	s0 =	sld [smem:$0x3F9A];
	_ =	swait.ge [sflag:s4], $0x0  }
0x19: {  	s7 =	sld [smem:$0x3F9B]  }
0x1a: {  	s8 =	sadd.s32 $0xFFFFE003, lr  }
0x1b: {  	s9 =	sadd.s32 $0xFFFFFEF7, lr;
	s5 =	simm.s32 $0xFFFFFFFF;
	p2 =	slt.u32 s8, $0xFFFFF086  }
0x1c: {  	p1 =	slt.u32 s9, $0xF7A;
	s5 =	simm.s32 @!p2 $0x0  }
0x1d: {  	s5 =	simm.s32 @p1 $0x1;
	p0 =	seq.s32 s7, s2  }
0x1e: {  	s7 =	smul.u32 @!p0 $0xF7A, s2;
	p2 =	seq.s32 @!p0 s5, $0x0  }
0x1f: {  	s9 =	smul.u32 $0xF7A, s1;
	s8 =	simm.s32 @!p0 $0x1BF5;
	p2 =	por !p2, p0  }
0x20: {  	[sflag:s8] =	ssyncset.s32 @!p0 $0xFFFFF086;
	s6 =	sadd.s32 @!p0 s3, s7;
	s7 =	simm.s32 @!p0 $0x108  }
0x21: {  	s3 =	sadd.s32 s3, s9;
	s6 =	sadd.s32 @!p0 $0x88, s6;
	s7 =	simm.s32 @p2 $0x1082  }
0x22: {  	[simem:s7], [sflag:s8] =	dma.local @!p0 [hbm:s6], $0xF7A  }
0x23: {  	s9 =	sor.u32 $0xD0000000, s2;
	s6 =	simm.s32 $0x108;
	_ =	swait.ge @!p0 [sflag:s8], $0x0  }
0x24: {  	s3 =	sadd.s32 $0x88, s3;
	s6 =	simm.s32 @!p1 $0x1082;
	[sflag:s4] =	ssyncset.s32 $0xFFFFF086  }
0x25: {  	[simem:s6], [sflag:s4] =	dma.local [hbm:s3], $0xF7A  }
0x26: {  	[smem:$0x3F9B] =	sst s1;
	(tag) =	ssettag s2;
	_ =	strace s9  }
0x27: {  	s1 =	sld [smem:$0x3FAB]  }
0x28: {  	s2 =	sld [smem:$0x3FAC]  }
0x29: {  	s4 =	sld [smem:$0x3FAE]  }
0x2a: {  	p0 =	seq.s32 s5, $0x0;
	s5 =	sld [smem:$0x3FAF]  }
0x2b: {  	s6 =	sld [smem:$0x3FB0]  }
0x2c: {  	s7 =	sld [smem:$0x3FB1]  }
0x2d: {  	s3 =	simm.s32 $0x108;
	s8 =	sld [smem:$0x3FB2]  }
0x2e: {  	s3 =	simm.s32 @!p0 $0x1082;
	s9 =	sld [smem:$0x3FB3]  }
0x2f: {  	lr =	sadd.s32 s0, s3;
	s0 =	sld [smem:$0x3FAA]  }
0x30: {  	s3 =	sld [smem:$0x3FAD]  }
0x31: {  	[smem:$0x3FB6] =	sst s10  }
0x32: {  	s10 =	sld [smem:$0x3FB4];
	_ =	sdelay $0x3  }
0x33: {  	p0 =	seq.s32 s10, $0x1;
	s10 =	sld [smem:$0x3FB6];
	_ =	sdelay $0x3  }
0x34: {  	[smem:$0x3FB6] =	sst s10  }
0x35: {  	s10 =	sld [smem:$0x3FB5];
	_ =	sdelay $0x3  }
0x36: {  	p1 =	seq.s32 s10, $0x1;
	s10 =	sld [smem:$0x3FB6];
	_ =	sdelay $0x3  }
0x37: {  	[smem:$0x3FB6] =	sst s10  }
0x38: {  	s10 =	sld [smem:$0x3FB7]  }
0x39: {  	_ = 	snop;
	(pc) =	sbr.ind lr, $3  }
0x3a: {  	_ = 	snop  }
0x3b: {  	_ = 	snop  }
0x3c: {  	p2 =	seq.s32 s10, $0x1;
	s10 =	sld [smem:$0x3FB6]  }
0x3d: {  	_ =	shalt  }
0x3e: {  	_ =	shalt  }
0x3f: {  	_ =	shalt  }
0x40: {  	_ =	shalt  }
0x41: {  	_ =	shalt  }
0x42: {  	_ =	shalt  }
0x43: {  	_ =	shalt  }
0x44: {  	_ =	shalt  }
0x45: {  	_ =	shalt  }
0x46: {  	_ =	shalt  }
0x47: {  	_ =	shalt  }
0x48: {  	_ =	shalt  }
0x49: {  	_ =	shalt  }
0x4a: {  	_ =	shalt  }
0x4b: {  	_ =	shalt  }
0x4c: {  	_ =	shalt  }
0x4d: {  	_ =	shalt  }
0x4e: {  	_ =	shalt  }
0x4f: {  	_ =	shalt  }
0x50: {  	_ =	shalt  }
0x51: {  	_ =	shalt  }
0x52: {  	_ =	shalt  }
0x53: {  	_ =	shalt  }
0x54: {  	_ =	shalt  }
0x55: {  	_ =	shalt  }
0x56: {  	_ =	shalt  }
0x57: {  	_ =	shalt  }
0x58: {  	_ =	shalt  }
0x59: {  	_ =	shalt  }
0x5a: {  	_ =	shalt  }
0x5b: {  	_ =	shalt  }
0x5c: {  	_ =	shalt  }
0x5d: {  	_ =	shalt  }
0x5e: {  	_ =	shalt  }
0x5f: {  	_ =	shalt  }
0x60: {  	_ =	shalt  }
0x61: {  	_ =	shalt  }
0x62: {  	_ =	shalt  }
0x63: {  	_ =	shalt  }
0x64: {  	_ =	shalt  }
0x65: {  	_ =	shalt  }
0x66: {  	_ =	shalt  }
0x67: {  	_ =	shalt  }
0x68: {  	_ =	shalt  }
0x69: {  	_ =	shalt  }
0x6a: {  	_ =	shalt  }
0x6b: {  	_ =	shalt  }
0x6c: {  	_ =	shalt  }
0x6d: {  	_ =	shalt  }
0x6e: {  	_ =	shalt  }
0x6f: {  	_ =	shalt  }
0x70: {  	_ =	shalt  }
0x71: {  	_ =	shalt  }
0x72: {  	_ =	shalt  }
0x73: {  	_ =	shalt  }
0x74: {  	_ =	shalt  }
0x75: {  	_ =	shalt  }
0x76: {  	_ =	shalt  }
0x77: {  	_ =	shalt  }
0x78: {  	_ =	shalt  }
0x79: {  	_ =	shalt  }
0x7a: {  	_ =	shalt  }
0x7b: {  	_ =	shalt  }
0x7c: {  	_ =	shalt  }
0x7d: {  	_ =	shalt  }
0x7e: {  	_ =	shalt  }
0x7f: {  	_ =	shalt  }
0x80: {  	_ =	shalt  }
0x81: {  	_ =	shalt  }
0x82: {  	_ =	shalt  }
0x83: {  	_ =	shalt  }
0x84: {  	_ =	shalt  }
0x85: {  	_ =	shalt  }
0x86: {  	_ =	shalt  }
0x87: {  	_ =	shalt  }
.Lfunc_end0:
.L_simem_size_0:
called_computation.1_lowered:
.L_overlay_start_0:
0x88: {  	s2 =	sld [smem:$0x3FD9]  }
0x89: {  	s3 =	sld [smem:$0x3FFE];
	_ =	sdelay $0x1  }
0x8a: {  	s1 =	srdreg.scid  }
0x8b: {  	s0 =	sand.u32 $0x1, s1  }
0x8c: {  	s17 =	sshll.u32 s0, $0xA;
	s2 =	sadd.s32 s3, s2  }
0x8d: {  	s2 =	sadd.s32 s2, s17  }
0x8e: {  	[smem:$0x3FC2] =	sst s2  }
0x8f: {  	_ = 	snop  }
0x90: {  	s2 =	sld [smem:$0x3FD0];
	(tm) =	ssettm $0x1  }
0x91: {  	s18 =	sld [smem:$0x3FFB];
	_ =	sdelay $0x3  }
0x92: {  	_ =	strace s18  }
0x93: {  	s3 =	sld [smem:$0x3FFC];
	_ =	sdelay $0x3  }
0x94: {  	_ =	strace s3  }
0x95: {  	s3 =	sld [smem:$0x3FFD];
	_ =	sdelay $0x3  }
0x96: {  	_ =	strace s3  }
0x97: {  	_ =	strace $0x8FFFFFFF  }
0x98: {  	s19 =	sld [smem:$0x3FDB];
	_ =	sdelay $0x1  }
0x99: {  	s4 =	simm.s32 $_scs_section_size  }
0x9a: {  	s5 =	simm.s32 $_size__tile_overlayer_lowered;
	s6 =	simm.s32 $_tile_overlayer_lowered  }
0x9b: {  	s22 =	simm.s32 $0x1BFF;
	s21 =	sshll.u32 s6, $0x1;
	s3 =	sadd.s32 s4, s19  }
0x9c: {  	s7 =	simm.s32 $0x0;
	s20 =	sshll.u32 s5, $0x1;
	s5 =	sadd.s32 s21, s3  }
0x9d: {  	[timem:s7], [sflag:s22] =	dma.local [hbm:s5], s20  }
0x9e: {  	_ =	swait.ge [sflag:s22], s20  }
0x9f: {  	s4 =	ssub.s32 $0x0, s20;
	[sflag:s22] =	ssyncset.done $0x0  }
0xa0: {  	[sflag:s22] =	ssyncadd.s32 s4;
	_ =	sdelay $0x1  }
0xa1: {  	s23 =	simm.s32 $0x1B8B  }
0xa2: {  	_ =	swait.ge [sflag:s23], $0x1  }
0xa3: {  	[sflag:s23] =	ssyncset.done $0x0  }
0xa4: {  	s25 =	simm.s32 $0x1B8E;
	s24 =	sld [smem:$0x3FFE];
	[sflag:s23] =	ssyncadd.s32 $0xFFFFFFFF  }
0xa5: {  	s26 =	simm.s32 $execute0_lowered;
	[smem:$0x3FD2] =	sst s25  }
0xa6: {  	s5 =	sshll.u32 s26, $0x1;
	_ =	strace $0x80000049;
	[dreg:$0x1] =	wrdreg $0xFFFFFFFF  }
0xa7: {  	s28 =	simm.s32 $_size_execute0_lowered;
	s3 =	sadd.s32 s3, s5;
	[dreg:$0x0] =	wrdreg $0x0  }
0xa8: {  	s5 =	sshll.u32 s28, $0x1;
	[dreg:$0x2] =	wrdreg s3  }
0xa9: {  	[dreg:$0x3] =	wrdreg s5  }
0xaa: {  	[dreg:$0x4] =	wrdreg $0xC0  }
0xab: {  	_ =	task [dreg:s7], $0x5FFFF  }
0xac: {  	[dreg:$0x1] =	wrdreg $0xFFFFFFFF  }
0xad: {  	[dreg:$0x0] =	wrdreg $0x60  }
0xae: {  	[dreg:$0x2] =	wrdreg s24  }
0xaf: {  	[dreg:$0x3] =	wrdreg s2  }
0xb0: {  	[dreg:$0x4] =	wrdreg $0x158000  }
0xb1: {  	[dreg:$0x5] =	wrdreg $0x9  }
0xb2: {  	_ =	task.clear_ibuf [dreg:s7], $0x6FFFF;
	_ =	strace $0x90000049  }
0xb3: {  	s29 =	simm.s32 $0x9;
	_ =	strace $0x8000004B  }
0xb4: {  	_ =	swait.ge [sflag:s29], $0x1  }
0xb5: {  	[sflag:s29] =	ssyncadd.s32 $0xFFFFFFFF  }
0xb6: {  	_ =	strace $0x9000004B  }
0xb7: {  	_ =	sfence  }
0xb8: {  	s30 =	sld [smem:$0x0];
	_ =	sdelay $0x2  }
0xb9: {  	s31 =	sshll.u32 s1, $0xD;
	s1 =	sshrl.u32 s1, $0x2  }
0xba: {  	s3 =	sand.u32 $0x4000, s31;
	s1 =	sadd.s32 s1, s30  }
0xbb: {  	s0 =	sor.u32 s3, s0;
	s1 =	sshll.u32 s1, $0x11  }
0xbc: {  	s0 =	sor.u32 s1, s0  }
0xbd: {  	s0 =	sadd.s32 $0x8F2B, s0  }
0xbe: {  	[sflag:s0] =	ssyncadd.remote.s32 $0x1  }
0xbf: {  	_ =	sfence.sel $0xFFFF  }
0xc0: {  	[dreg:$0x0] =	wrdreg $0xFFFFFFFF;
	(pc) =	sbr.abs _section_cstart, $3  }
0xc1: {  	[dreg:$0x1] =	wrdreg $0xFFFFFFFF  }
0xc2: {  	_ =	task.clear_ibuf [dreg:s7], $0x2FFFF;
	_ =	strace $0x9FFFFFFF  }
0xc3: {  	(tm) =	ssettm $0x7FFFFFFF  }
tec
execute0_lowered:
.L_overlay_start_1:
0x0: {  	(tag) =	ssettag $0x1  }
0x1: {  	s0 =	srdreg.scid  }
0x2: {  	s14 =	stileid.u32;
	s1 =	rddreg [dreg:$0x0]  }
0x3: {  	s8 =	rddreg [dreg:$0x1];
	s3 =	simm.s32 $0x0;
	s15 =	simm.s32 $0x2C00  }
0x4: {  	s16 =	simm.s32 $0x80;
	s17 =	simm.s32 $0x5800;
	s18 =	simm.s32 $0x7800  }
0x5: {  	s21 =	simm.s32 $0x100;
	s22 =	simm.s32 $0xB800;
	s23 =	simm.s32 $0x1  }
0x6: {  	s24 =	simm.s32 $0x2;
	s29 =	simm.s32 $0x3;
	s31 =	simm.s32 $0x4  }
0x7: {  	s0 =	sand.u32 $0x1, s0;
	s2 =	sshll.u32 s14, $0x1;
	s7 =	smul.u32 $0xA000, s14  }
0x8: {  	[smem:$0x7FF] =	sst s3;
	s4 =	sadd.s32 $0xBE00, s1;
	s30 =	sshll.u32 s14, $0x6  }
0x9: {  	s14 =	simm.s32 $0x11;
	s5 =	sor.u32 s0, s2;
	s2 =	rddreg [dreg:$0x2]  }
0xa: {  	s10 =	smul.u32 $0xA0000, s0;
	_ =	strace $0x8000004A;
	s0 =	ssub.s32 $0x2, s0  }
0xb: {  	s6 =	smul.u32 $0x9C4, s5;
	s12 =	sshrl.u32 s7, $0x3;
	p0 =	seq.s32 s5, $0x1F  }
0xc: {  	s26 =	sshrl.u32 s0, $0x1;
	s28 =	sadd.s32 s7, s2;
	s10 =	sadd.s32 s7, s10  }
0xd: {  	s12 =	sadd.s32 s12, s1;
	s0 =	ssub.s32 s0, s26;
	s7 =	sor.u32 $0x1C11, s30  }
0xe: {  	s26 =	simm.s32 $0x180;
	s9 =	sshrl.u32 s6, $0x1;
	s10 =	sshrl.u32 s10, $0x3  }
0xf: {  	s13 =	sadd.s32 $0x9C4, s6;
	s6 =	sshrl.u32 s6, $0x5;
	s9 =	sand.u32 $0xFF80, s9  }
0x10: {  	s25 =	sshrl.u32 s13, $0x5;
	s20 =	sand.u32 $0xFF8, s6;
	s6 =	sadd.s32 $0x1FE00, s12  }
0x11: {  	s12 =	smax.u32 s0, $0x1;
	s13 =	sshrl.u32 s28, $0x3;
	s11 =	sadd.s32 s9, s1  }
0x12: {  	s1 =	sadd.s32 s10, s1;
	s19 =	sand.u32 $0x1FF8, s25;
	s8 =	sadd.s32 s8, s9  }
0x13: {  	s25 =	simm.s32 $0x9800;
	s19 =	simm.s32 @p0 $0x9C4;
	s9 =	sadd.s32 $0x2000, s11  }
0x14: {  	s11 =	sadd.s32 $0x33E00, s1;
	s5 =	ssub.s32 s19, s20;
	p3 =	seq.s32 s19, s20  }
0x15: {  	p0 =	sgt.s32 s5, $0x8;
	s10 =	smov.u32 s5;
	p1 =	slt.u32 s5, $0x5  }
.Ltmp0:
0x16: {  	p2 =	slt.u32 s5, $0x6;
	s0 =	simm.s32 @!p3 $0x0;
	(pc) =	sbr.rel .LBB2_1-.Ltmp0, $4  }
0x17: {  	p4 =	slt.u32 s5, $0x7;
	s0 =	simm.s32 @p3 $0x1;
	p3 =	slt.u32 s5, $0x8  }
0x18: {  	s10 =	simm.s32 @!p0 $0x8;
	[smem:$0x7FC] =	sst s0;
	s0 =	simm.s32 @!p3 $0x0  }
0x19: {  	p0 =	slt.s32 s5, $0x1;
	s10 =	sadd.s32 $0xFFFFFFF8, s10;
	s0 =	simm.s32 @p3 $0x1  }
0x1a: {  	p6 =	sge.s32 s10, s5;
	[smem:$0x7FD] =	sst s0;
	s0 =	simm.s32 $0x0  }
.LBB2_14:
0x1b: {  	[sflag:s19] =	ssyncadd.s32 $0xFFFFE000  }
.LBB2_15:
0x1c: {  	s0 =	sadd.s32 $0x1, s0  }
0x1d: {  	p3 =	sne.s32 s0, s12  }
.Ltmp1:
0x1e: {  	[bflag:$0x0] =	sbarrier.arrive $0xFFFF;
	(pc) =	sbr.rel @!p3 .LBB2_16-.Ltmp1, $4  }
0x1f: {  	[hbm:s11], [sflag:s7] =	dma.local [spmem:s13], $0x1400  }
0x20: {  	_ =	swait.ge [sflag:s14], $0x1400  }
0x21: {  	[sflag:s14] =	ssyncset.done $0x0  }
0x22: {  	[sflag:s14] =	ssyncadd.s32 $0xFFFFEC00  }
.LBB2_1:
0x23: {  	[spmem:s13], [sflag:s7] =	dma.local [hbm:s6], $0x1400  }
0x24: {  	_ =	swait.ge [sflag:s14], $0x1400  }
0x25: {  	[sflag:s14] =	ssyncset.done $0x0  }
0x26: {  	[sflag:s14] =	ssyncadd.s32 $0xFFFFEC00  }
0x27: {  	[tilespmem:s3], [sflag:$0x11] =	stream.linear.gather [hbm4b:s8+s3], $0x2C00, $0x38;
	[tilespmem:$0x1F800] =	vst v63  }
0x28: {  	_ =	swait.ge [sflag:s14], $0x2C00  }
0x29: {  	[sflag:s14] =	ssyncset.done $0x0  }
0x2a: {  	[sflag:s14] =	ssyncadd.s32 $0xFFFFD400  }
0x2b: {  	[tilespmem:s15], [sflag:$0x11] =	stream.linear.gather [hbm4b:s9+s3], $0x2C00, $0x38;
	[tilespmem:$0x1F800] =	vst v63  }
0x2c: {  	_ =	swait.ge [sflag:s14], $0x2C00  }
0x2d: {  	[sflag:s14] =	ssyncset.done $0x0  }
0x2e: {  	[sflag:s14] =	ssyncadd.s32 $0xFFFFD400  }
0x2f: {  	[bflag:$0x0] =	sbarrier.arrive $0xFFFF  }
0x30: {  	[tilespmem:s17], [sflag:$0x1] =	stream.indirect.gather [hbm4b:s4+s16], $0x40, s3, s16, $0xb8;
	[tilespmem:$0x1F800] =	vst v63  }
0x31: {  	_ = 	snop  }
0x32: {  	[tilespmem:s18], [sflag:$0x2] =	stream.indirect.gather [hbm4b:s4+s16], $0x40, s16, s16, $0xb8;
	[tilespmem:$0x1F800] =	vst v63  }
.Ltmp2:
0x33: {  	_ = 	snop;
	(pc) =	sbr.rel @p0 .LBB2_11-.Ltmp2, $4  }
0x34: {  	_ = 	snop  }
0x35: {  	[tilespmem:s25], [sflag:$0x3] =	stream.indirect.gather [hbm4b:s4+s16], $0x40, s21, s16, $0xb8;
	[tilespmem:$0x1F800] =	vst v63  }
0x36: {  	_ = 	snop  }
0x37: {  	[tilespmem:s22], [sflag:$0x4] =	stream.indirect.gather [hbm4b:s4+s16], $0x40, s26, s16, $0xb8;
	[tilespmem:$0x1F800] =	vst v63  }
0x38: {  	_ =	swait.ge [sflag:s23], $0x2000  }
0x39: {  	[sflag:s23] =	ssyncset.done $0x0  }
0x3a: {  	[sflag:s23] =	ssyncadd.s32 $0xFFFFE000  }
0x3b: {  	[spmem:s2] =	stream.indirect.scatter.add.f32 [tilespmem:s17], [sflag:$0x9], $0x40, s15, s16, $0xb8;
	[tilespmem:$0x1F800] =	vst v63  }
0x3c: {  	s1 =	simm.s32 @!p1 $0x80;
	s19 =	simm.s32 @!p1 $0x200;
	s20 =	simm.s32 @!p1 $0xD800  }
0x3d: {  	[tilespmem:s20], [sflag:$0x5] =	stream.indirect.gather @!p1 [hbm4b:s4+s1], $0x40, s19, s1, $0xb8;
	[tilespmem:$0x1F800] =	vst v63  }
.Ltmp3:
0x3e: {  	_ = 	snop;
	(pc) =	sbr.rel @p2 .LBB2_4-.Ltmp3, $4  }
0x3f: {  	_ =	swait.ge [sflag:s24], $0x2000  }
0x40: {  	[sflag:s24] =	ssyncset.done $0x0  }
0x41: {  	s30 =	simm.s32 $0x2C80;
	[sflag:s24] =	ssyncadd.s32 $0xFFFFE000  }
0x42: {  	[spmem:s2] =	stream.indirect.scatter.add.f32 [tilespmem:s18], [sflag:$0xA], $0x40, s30, s16, $0xb8;
	[tilespmem:$0x1F800] =	vst v63  }
.Ltmp4:
0x43: {  	(pc) =	sbr.rel .LBB2_5-.Ltmp4, $3  }
0x44: {  	_ =	sdelay $0x1  }
0x45: {  	s1 =	simm.s32 $0x280;
	s19 =	simm.s32 $0xF800  }
0x46: {  	[tilespmem:s19], [sflag:$0x6] =	stream.indirect.gather [hbm4b:s4+s16], $0x40, s1, s16, $0xb8;
	[tilespmem:$0x1F800] =	vst v63  }
.LBB2_4:
0x47: {  	s1 =	sld [smem:$0x7FC];
	_ =	sdelay $0x2  }
0x48: {  	p3 =	seq.s32 s1, $0x1  }
.Ltmp5:
0x49: {  	_ = 	snop;
	(pc) =	sbr.rel @p3 .LBB2_11-.Ltmp5, $1  }
0x4a: {  	_ =	sdelay $0x3  }
.LBB2_5:
0x4b: {  	_ =	swait.ge [sflag:s29], $0x2000  }
0x4c: {  	[sflag:s29] =	ssyncset.done $0x0  }
0x4d: {  	s1 =	simm.s32 $0x2D00;
	[sflag:s29] =	ssyncadd.s32 $0xFFFFE000  }
0x4e: {  	[spmem:s2] =	stream.indirect.scatter.add.f32 [tilespmem:s25], [sflag:$0xB], $0x40, s1, s16, $0xb8;
	[tilespmem:$0x1F800] =	vst v63  }
0x4f: {  	s19 =	simm.s32 @!p4 $0x300;
	s20 =	simm.s32 @!p4 $0x11800;
	s1 =	simm.s32 @!p4 $0x80  }
0x50: {  	[tilespmem:s20], [sflag:$0x7] =	stream.indirect.gather @!p4 [hbm4b:s4+s1], $0x40, s19, s1, $0xb8;
	[tilespmem:$0x1F800] =	vst v63  }
0x51: {  	_ =	swait.ge [sflag:s31], $0x2000  }
0x52: {  	s30 =	sld [smem:$0x7FD];
	_ =	sdelay $0x2  }
0x53: {  	p3 =	seq.s32 s30, $0x1  }
.Ltmp6:
0x54: {  	_ = 	snop;
	(pc) =	sbr.rel @p3 .LBB2_7-.Ltmp6, $4  }
0x55: {  	_ = 	snop  }
0x56: {  	[sflag:s31] =	ssyncset.done $0x0  }
0x57: {  	s28 =	simm.s32 $0x2D80;
	[sflag:s31] =	ssyncadd.s32 $0xFFFFE000  }
0x58: {  	[spmem:s2] =	stream.indirect.scatter.add.f32 [tilespmem:s22], [sflag:$0xC], $0x40, s28, s16, $0xb8;
	[tilespmem:$0x1F800] =	vst v63  }
.Ltmp7:
0x59: {  	(pc) =	sbr.rel .LBB2_8-.Ltmp7, $3  }
0x5a: {  	_ =	sdelay $0x1  }
0x5b: {  	s1 =	simm.s32 $0x380;
	s19 =	simm.s32 $0x13800  }
0x5c: {  	[tilespmem:s19], [sflag:$0x8] =	stream.indirect.gather [hbm4b:s4+s16], $0x40, s1, s16, $0xb8;
	[tilespmem:$0x1F800] =	vst v63  }
.LBB2_7:
.Ltmp8:
0x5d: {  	(pc) =	sbr.rel @p1 .LBB2_11-.Ltmp8, $1  }
0x5e: {  	_ =	sdelay $0x3  }
.LBB2_8:
0x5f: {  	s1 =	simm.s32 $0x4;
	s19 =	simm.s32 $0x2E00  }
0x60: {  	s25 =	simm.s32 $0x8;
	p3 =	sle.s32 s5, $0x8;
	s1 =	sand.u32 $0x7, s1  }
0x61: {  	s28 =	simm.s32 $0x400;
	s26 =	simm.s32 $0x5;
	s20 =	sadd.s32 $0x1, s1  }
0x62: {  	p5 =	sgt.s32 s5, $0x5;
	s21 =	sshll.u32 s1, $0xD;
	_ =	swait.ge [sflag:s20], $0x2000  }
0x63: {  	s1 =	sadd.s32 $0x9, s1;
	s21 =	sadd.s32 $0x5800, s21;
	[sflag:s20] =	ssyncset.done $0x0  }
.Ltmp9:
0x64: {  	[sflag:s20] =	ssyncadd.s32 $0xFFFFE000;
	s20 =	sand.u32 @!p3 $0x7, s25;
	(pc) =	sbr.rel @!p5 .LBB2_10-.Ltmp9, $4  }
0x65: {  	[spmem:s2] =	stream.indirect.scatter.add.f32 [tilespmem:s21], [sflag:s1], $0x40, s19, s16, $0xb8;
	[tilespmem:$0x1F800] =	vst v63  }
0x66: {  	s30 =	simm.s32 $0x2E80;
	s25 =	sadd.s32 @!p3 $0x9, s20;
	s1 =	sshll.u32 @!p3 s20, $0xD  }
0x67: {  	s19 =	sadd.s32 @!p3 $0x1, s20;
	s20 =	simm.s32 @!p3 $0x80;
	_ =	swait.ge @!p3 [sflag:s25], $0x2000  }
0x68: {  	s21 =	sadd.s32 @!p3 $0x5800, s1;
	s1 =	simm.s32 $0x400;
	[sflag:s25] =	ssyncset.done @!p3 $0x0  }
.LBB2_9:
0x69: {  	[sflag:s25] =	ssyncadd.s32 @!p3 $0xFFFFE000  }
0x6a: {  	s1 =	sadd.s32 $0x80, s1;
	s25 =	smov.u32 s26;
	s26 =	sadd.s32 $0x1, s26  }
0x6b: {  	[tilespmem:s21], [sflag:s19] =	stream.indirect.gather @!p3 [hbm4b:s4+s20], $0x40, s28, s20, $0xb8;
	[tilespmem:$0x1F800] =	vst v63  }
0x6c: {  	s19 =	sand.u32 $0x7, s25;
	p5 =	slt.s32 s26, s5;
	s28 =	smov.u32 s1  }
0x6d: {  	s20 =	sshll.u32 s19, $0xD;
	s21 =	sadd.s32 $0x1, s19  }
0x6e: {  	s25 =	sadd.s32 $0x4, s25;
	s19 =	sadd.s32 $0x9, s19;
	_ =	swait.ge [sflag:s21], $0x2000  }
0x6f: {  	p3 =	sge.s32 s25, s5;
	s20 =	sadd.s32 $0x5800, s20;
	[sflag:s21] =	ssyncset.done $0x0  }
.Ltmp10:
0x70: {  	[sflag:s21] =	ssyncadd.s32 $0xFFFFE000;
	s21 =	sand.u32 @!p3 $0x7, s25;
	(pc) =	sbr.rel @p5 .LBB2_9-.Ltmp10, $4  }
0x71: {  	[spmem:s2] =	stream.indirect.scatter.add.f32 [tilespmem:s20], [sflag:s19], $0x40, s30, s16, $0xb8;
	[tilespmem:$0x1F800] =	vst v63  }
0x72: {  	s25 =	sadd.s32 @!p3 $0x9, s21;
	s20 =	sshll.u32 @!p3 s21, $0xD;
	s19 =	sadd.s32 @!p3 $0x1, s21  }
0x73: {  	s21 =	sadd.s32 @!p3 $0x5800, s20;
	_ =	swait.ge @!p3 [sflag:s25], $0x2000  }
0x74: {  	s30 =	sadd.s32 $0x80, s30;
	s20 =	simm.s32 @!p3 $0x80;
	[sflag:s25] =	ssyncset.done @!p3 $0x0  }
.LBB2_10:
0x75: {  	[sflag:s25] =	ssyncadd.s32 @!p3 $0xFFFFE000  }
0x76: {  	[tilespmem:s21], [sflag:s19] =	stream.indirect.gather @!p3 [hbm4b:s4+s20], $0x40, s28, s20, $0xb8;
	[tilespmem:$0x1F800] =	vst v63  }
0x77: {  	s25 =	simm.s32 $0x9800;
	s26 =	simm.s32 $0x180;
	s21 =	simm.s32 $0x100  }
.LBB2_11:
.Ltmp11:
0x78: {  	(pc) =	sbr.rel @p6 .LBB2_15-.Ltmp11, $1  }
0x79: {  	_ =	sdelay $0x3  }
0x7a: {  	s1 =	sadd.s32 $0x1, s10  }
0x7b: {  	p3 =	slt.s32 s1, s5  }
.Ltmp12:
0x7c: {  	_ = 	snop;
	(pc) =	sbr.rel @!p3 .LBB2_14-.Ltmp12, $4  }
0x7d: {  	s19 =	sand.u32 $0x7, s10  }
0x7e: {  	s19 =	sadd.s32 $0x9, s19  }
0x7f: {  	_ =	swait.ge [sflag:s19], $0x2000  }
0x80: {  	[sflag:s19] =	ssyncset.done $0x0  }
.LBB2_13:
0x81: {  	[sflag:s19] =	ssyncadd.s32 $0xFFFFE000;
	s19 =	smov.u32 s1;
	s1 =	sadd.s32 $0x1, s1  }
0x82: {  	p3 =	slt.s32 s1, s5  }
.Ltmp13:
0x83: {  	(pc) =	sbr.rel @p3 .LBB2_13-.Ltmp13, $4  }
0x84: {  	s19 =	sand.u32 $0x7, s19  }
0x85: {  	s19 =	sadd.s32 $0x9, s19  }
0x86: {  	_ =	swait.ge [sflag:s19], $0x2000  }
0x87: {  	[sflag:s19] =	ssyncset.done $0x0  }
.Ltmp14:
0x88: {  	_ = 	snop;
	(pc) =	sbr.rel .LBB2_14-.Ltmp14, $1  }
0x89: {  	_ =	sdelay $0x3  }
.LBB2_16:
0x8a: {  	_ =	sfence.sel $0x180000  }
0x8b: {  	[bflag:$0x0] =	sbarrier.arrive $0xFFFF  }
0x8c: {  	_ =	strace $0x9000004A  }
0x8d: {  	s0 =	stileid.u32;
	[bflag:$0x2] =	sbarrier.arrive $0xFFFF  }
0x8e: {  	p0 =	sne.s32 s0, $0x0;
	s0 =	rddreg [dreg:$0x3]  }
0x8f: {  	s0 =	sadd.s32 @!p0 $0x100000, s0  }
0x90: {  	[sflag:s0] =	ssyncadd.tile.s32 @!p0 $0x1;
	_ =	shalt  }
.Lfunc_end2:
_tile_overlayer_lowered:
.L_overlay_start_2:
0x91: {  	(tag) =	ssettag $0x2  }
0x92: {  	s0 =	rddreg [dreg:$0x0];
	s2 =	stileid.u32  }
0x93: {  	s1 =	rddreg [dreg:$0x1];
	p0 =	sne.s32 s2, $0x0  }
0x94: {  	s3 =	rddreg [dreg:$0x2];
	[bflag:$0x3] =	sbarrier.arrive $0xFFFF;
	s2 =	simm.s32 @!p0 $0x1C11  }
0x95: {  	[timem:s3], [sflag:s2] =	dma.local @!p0 [hbm:s0], s1  }
0x96: {  	s0 =	simm.s32 @!p0 $0x11  }
0x97: {  	_ =	swait.ge @!p0 [sflag:s0], s1  }
0x98: {  	s1 =	ssub.s32 @!p0 $0x0, s1;
	[sflag:s0] =	ssyncset.done @!p0 $0x0  }
0x99: {  	[sflag:s0] =	ssyncadd.s32 @!p0 s1  }
0x9a: {  	[bflag:$0x3] =	sbarrier.arrive $0xFFFF  }
0x9b: {  	_ =	shalt  }

// kernel: kernel.15.cloned.1.call-start
scs
__scs_entry_jumppad:
0x0: {  	(pc) =	sbr.rel $0x88, $3  }
0x1: {  	(tag) =	ssettag $0x0;
	lr =	simm.s32 $0x1  }
0x2: {  	[smem:$0x3F9B] =	sst lr;
	_ =	strace $0xD0000000  }
0x3: {  	_ = 	snop  }
0x4: {  	_ = 	snop  }
0x5: {  	_ = 	snop  }
0x6: {  	_ = 	snop  }
0x7: {  	_ = 	snop  }
__scs_overlays_trampoline_lowered:
0x8: {  	[smem:$0x3FAA] =	sst s0  }
0x9: {  	[smem:$0x3FAB] =	sst s1  }
0xa: {  	[smem:$0x3FAC] =	sst s2  }
0xb: {  	[smem:$0x3FAD] =	sst s3  }
0xc: {  	[smem:$0x3FAE] =	sst s4  }
0xd: {  	[smem:$0x3FAF] =	sst s5  }
0xe: {  	[smem:$0x3FB0] =	sst s6  }
0xf: {  	[smem:$0x3FB1] =	sst s7  }
0x10: {  	[smem:$0x3FB2] =	sst s8  }
0x11: {  	[smem:$0x3FB3] =	sst s9;
	s0 =	simm.s32 @!p0 $0x0  }
0x12: {  	s1 =	sld [smem:$0x3F99];
	s0 =	simm.s32 @p0 $0x1  }
0x13: {  	[smem:$0x3FB4] =	sst s0;
	s0 =	simm.s32 @!p1 $0x0  }
0x14: {  	s2 =	sld [smem:$0x3F98];
	s0 =	simm.s32 @p1 $0x1  }
0x15: {  	[smem:$0x3FB5] =	sst s0;
	s0 =	simm.s32 @!p2 $0x0  }
0x16: {  	s3 =	sld [smem:$0x3FDB];
	s0 =	simm.s32 @p2 $0x1  }
0x17: {  	s4 =	simm.s32 $0x1BF5;
	[smem:$0x3FB7] =	sst s0  }
0x18: {  	s0 =	sld [smem:$0x3F9A];
	_ =	swait.ge [sflag:s4], $0x0  }
0x19: {  	s7 =	sld [smem:$0x3F9B]  }
0x1a: {  	s8 =	sadd.s32 $0xFFFFE003, lr  }
0x1b: {  	s9 =	sadd.s32 $0xFFFFFEF7, lr;
	s5 =	simm.s32 $0xFFFFFFFF;
	p2 =	slt.u32 s8, $0xFFFFF086  }
0x1c: {  	p1 =	slt.u32 s9, $0xF7A;
	s5 =	simm.s32 @!p2 $0x0  }
0x1d: {  	s5 =	simm.s32 @p1 $0x1;
	p0 =	seq.s32 s7, s2  }
0x1e: {  	s7 =	smul.u32 @!p0 $0xF7A, s2;
	p2 =	seq.s32 @!p0 s5, $0x0  }
0x1f: {  	s9 =	smul.u32 $0xF7A, s1;
	s8 =	simm.s32 @!p0 $0x1BF5;
	p2 =	por !p2, p0  }
0x20: {  	[sflag:s8] =	ssyncset.s32 @!p0 $0xFFFFF086;
	s6 =	sadd.s32 @!p0 s3, s7;
	s7 =	simm.s32 @!p0 $0x108  }
0x21: {  	s3 =	sadd.s32 s3, s9;
	s6 =	sadd.s32 @!p0 $0x88, s6;
	s7 =	simm.s32 @p2 $0x1082  }
0x22: {  	[simem:s7], [sflag:s8] =	dma.local @!p0 [hbm:s6], $0xF7A  }
0x23: {  	s9 =	sor.u32 $0xD0000000, s2;
	s6 =	simm.s32 $0x108;
	_ =	swait.ge @!p0 [sflag:s8], $0x0  }
0x24: {  	s3 =	sadd.s32 $0x88, s3;
	s6 =	simm.s32 @!p1 $0x1082;
	[sflag:s4] =	ssyncset.s32 $0xFFFFF086  }
0x25: {  	[simem:s6], [sflag:s4] =	dma.local [hbm:s3], $0xF7A  }
0x26: {  	[smem:$0x3F9B] =	sst s1;
	(tag) =	ssettag s2;
	_ =	strace s9  }
0x27: {  	s1 =	sld [smem:$0x3FAB]  }
0x28: {  	s2 =	sld [smem:$0x3FAC]  }
0x29: {  	s4 =	sld [smem:$0x3FAE]  }
0x2a: {  	p0 =	seq.s32 s5, $0x0;
	s5 =	sld [smem:$0x3FAF]  }
0x2b: {  	s6 =	sld [smem:$0x3FB0]  }
0x2c: {  	s7 =	sld [smem:$0x3FB1]  }
0x2d: {  	s3 =	simm.s32 $0x108;
	s8 =	sld [smem:$0x3FB2]  }
0x2e: {  	s3 =	simm.s32 @!p0 $0x1082;
	s9 =	sld [smem:$0x3FB3]  }
0x2f: {  	lr =	sadd.s32 s0, s3;
	s0 =	sld [smem:$0x3FAA]  }
0x30: {  	s3 =	sld [smem:$0x3FAD]  }
0x31: {  	[smem:$0x3FB6] =	sst s10  }
0x32: {  	s10 =	sld [smem:$0x3FB4];
	_ =	sdelay $0x3  }
0x33: {  	p0 =	seq.s32 s10, $0x1;
	s10 =	sld [smem:$0x3FB6];
	_ =	sdelay $0x3  }
0x34: {  	[smem:$0x3FB6] =	sst s10  }
0x35: {  	s10 =	sld [smem:$0x3FB5];
	_ =	sdelay $0x3  }
0x36: {  	p1 =	seq.s32 s10, $0x1;
	s10 =	sld [smem:$0x3FB6];
	_ =	sdelay $0x3  }
0x37: {  	[smem:$0x3FB6] =	sst s10  }
0x38: {  	s10 =	sld [smem:$0x3FB7]  }
0x39: {  	_ = 	snop;
	(pc) =	sbr.ind lr, $3  }
0x3a: {  	_ = 	snop  }
0x3b: {  	_ = 	snop  }
0x3c: {  	p2 =	seq.s32 s10, $0x1;
	s10 =	sld [smem:$0x3FB6]  }
0x3d: {  	_ =	shalt  }
0x3e: {  	_ =	shalt  }
0x3f: {  	_ =	shalt  }
0x40: {  	_ =	shalt  }
0x41: {  	_ =	shalt  }
0x42: {  	_ =	shalt  }
0x43: {  	_ =	shalt  }
0x44: {  	_ =	shalt  }
0x45: {  	_ =	shalt  }
0x46: {  	_ =	shalt  }
0x47: {  	_ =	shalt  }
0x48: {  	_ =	shalt  }
0x49: {  	_ =	shalt  }
0x4a: {  	_ =	shalt  }
0x4b: {  	_ =	shalt  }
0x4c: {  	_ =	shalt  }
0x4d: {  	_ =	shalt  }
0x4e: {  	_ =	shalt  }
0x4f: {  	_ =	shalt  }
0x50: {  	_ =	shalt  }
0x51: {  	_ =	shalt  }
0x52: {  	_ =	shalt  }
0x53: {  	_ =	shalt  }
0x54: {  	_ =	shalt  }
0x55: {  	_ =	shalt  }
0x56: {  	_ =	shalt  }
0x57: {  	_ =	shalt  }
0x58: {  	_ =	shalt  }
0x59: {  	_ =	shalt  }
0x5a: {  	_ =	shalt  }
0x5b: {  	_ =	shalt  }
0x5c: {  	_ =	shalt  }
0x5d: {  	_ =	shalt  }
0x5e: {  	_ =	shalt  }
0x5f: {  	_ =	shalt  }
0x60: {  	_ =	shalt  }
0x61: {  	_ =	shalt  }
0x62: {  	_ =	shalt  }
0x63: {  	_ =	shalt  }
0x64: {  	_ =	shalt  }
0x65: {  	_ =	shalt  }
0x66: {  	_ =	shalt  }
0x67: {  	_ =	shalt  }
0x68: {  	_ =	shalt  }
0x69: {  	_ =	shalt  }
0x6a: {  	_ =	shalt  }
0x6b: {  	_ =	shalt  }
0x6c: {  	_ =	shalt  }
0x6d: {  	_ =	shalt  }
0x6e: {  	_ =	shalt  }
0x6f: {  	_ =	shalt  }
0x70: {  	_ =	shalt  }
0x71: {  	_ =	shalt  }
0x72: {  	_ =	shalt  }
0x73: {  	_ =	shalt  }
0x74: {  	_ =	shalt  }
0x75: {  	_ =	shalt  }
0x76: {  	_ =	shalt  }
0x77: {  	_ =	shalt  }
0x78: {  	_ =	shalt  }
0x79: {  	_ =	shalt  }
0x7a: {  	_ =	shalt  }
0x7b: {  	_ =	shalt  }
0x7c: {  	_ =	shalt  }
0x7d: {  	_ =	shalt  }
0x7e: {  	_ =	shalt  }
0x7f: {  	_ =	shalt  }
0x80: {  	_ =	shalt  }
0x81: {  	_ =	shalt  }
0x82: {  	_ =	shalt  }
0x83: {  	_ =	shalt  }
0x84: {  	_ =	shalt  }
0x85: {  	_ =	shalt  }
0x86: {  	_ =	shalt  }
0x87: {  	_ =	shalt  }
.Lfunc_end0:
.L_simem_size_0:
called_computation.2_lowered:
.L_overlay_start_0:
0x88: {  	s2 =	sld [smem:$0x3FD9]  }
0x89: {  	s3 =	sld [smem:$0x3FFE];
	_ =	sdelay $0x1  }
0x8a: {  	s1 =	srdreg.scid  }
0x8b: {  	s0 =	sand.u32 $0x1, s1  }
0x8c: {  	s17 =	sshll.u32 s0, $0xA;
	s2 =	sadd.s32 s3, s2  }
0x8d: {  	s2 =	sadd.s32 s2, s17  }
0x8e: {  	[smem:$0x3FC2] =	sst s2  }
0x8f: {  	_ = 	snop  }
0x90: {  	s2 =	sld [smem:$0x3FD0];
	(tm) =	ssettm $0x1  }
0x91: {  	s18 =	sld [smem:$0x3FFB];
	_ =	sdelay $0x3  }
0x92: {  	_ =	strace s18  }
0x93: {  	s3 =	sld [smem:$0x3FFC];
	_ =	sdelay $0x3  }
0x94: {  	_ =	strace s3  }
0x95: {  	s3 =	sld [smem:$0x3FFD];
	_ =	sdelay $0x3  }
0x96: {  	_ =	strace s3  }
0x97: {  	_ =	strace $0x8FFFFFFF  }
0x98: {  	s19 =	sld [smem:$0x3FDB];
	_ =	sdelay $0x1  }
0x99: {  	s4 =	simm.s32 $_scs_section_size  }
0x9a: {  	s5 =	simm.s32 $_size__tile_overlayer_lowered;
	s6 =	simm.s32 $_tile_overlayer_lowered  }
0x9b: {  	s22 =	simm.s32 $0x1BFF;
	s21 =	sshll.u32 s6, $0x1;
	s3 =	sadd.s32 s4, s19  }
0x9c: {  	s7 =	simm.s32 $0x0;
	s20 =	sshll.u32 s5, $0x1;
	s5 =	sadd.s32 s21, s3  }
0x9d: {  	[timem:s7], [sflag:s22] =	dma.local [hbm:s5], s20  }
0x9e: {  	_ =	swait.ge [sflag:s22], s20  }
0x9f: {  	s4 =	ssub.s32 $0x0, s20;
	[sflag:s22] =	ssyncset.done $0x0  }
0xa0: {  	[sflag:s22] =	ssyncadd.s32 s4;
	_ =	sdelay $0x1  }
0xa1: {  	s23 =	simm.s32 $0x1B8B  }
0xa2: {  	_ =	swait.ge [sflag:s23], $0x1  }
0xa3: {  	[sflag:s23] =	ssyncset.done $0x0  }
0xa4: {  	s25 =	simm.s32 $0x1B8E;
	s24 =	sld [smem:$0x3FFE];
	[sflag:s23] =	ssyncadd.s32 $0xFFFFFFFF  }
0xa5: {  	s26 =	simm.s32 $execute0_lowered;
	[smem:$0x3FD2] =	sst s25  }
0xa6: {  	s5 =	sshll.u32 s26, $0x1;
	_ =	strace $0x8000004C;
	[dreg:$0x1] =	wrdreg $0xFFFFFFFF  }
0xa7: {  	s28 =	simm.s32 $_size_execute0_lowered;
	s3 =	sadd.s32 s3, s5;
	[dreg:$0x0] =	wrdreg $0x0  }
0xa8: {  	s5 =	sshll.u32 s28, $0x1;
	[dreg:$0x2] =	wrdreg s3  }
0xa9: {  	[dreg:$0x3] =	wrdreg s5  }
0xaa: {  	[dreg:$0x4] =	wrdreg $0xC0  }
0xab: {  	_ =	task [dreg:s7], $0x5FFFF  }
0xac: {  	[dreg:$0x1] =	wrdreg $0xFFFFFFFF  }
0xad: {  	[dreg:$0x0] =	wrdreg $0x60  }
0xae: {  	[dreg:$0x2] =	wrdreg s24  }
0xaf: {  	[dreg:$0x3] =	wrdreg s2  }
0xb0: {  	[dreg:$0x4] =	wrdreg $0x178000  }
0xb1: {  	[dreg:$0x5] =	wrdreg $0x9  }
0xb2: {  	_ =	task.clear_ibuf [dreg:s7], $0x6FFFF;
	_ =	strace $0x9000004C  }
0xb3: {  	s29 =	simm.s32 $0x9;
	_ =	strace $0x8000004E  }
0xb4: {  	_ =	swait.ge [sflag:s29], $0x1  }
0xb5: {  	[sflag:s29] =	ssyncadd.s32 $0xFFFFFFFF  }
0xb6: {  	_ =	strace $0x9000004E  }
0xb7: {  	_ =	sfence  }
0xb8: {  	s30 =	sld [smem:$0x0];
	_ =	sdelay $0x2  }
0xb9: {  	s31 =	sshll.u32 s1, $0xD;
	s1 =	sshrl.u32 s1, $0x2  }
0xba: {  	s3 =	sand.u32 $0x4000, s31;
	s1 =	sadd.s32 s1, s30  }
0xbb: {  	s0 =	sor.u32 s3, s0;
	s1 =	sshll.u32 s1, $0x11  }
0xbc: {  	s0 =	sor.u32 s1, s0  }
0xbd: {  	s0 =	sadd.s32 $0x8F2B, s0  }
0xbe: {  	[sflag:s0] =	ssyncadd.remote.s32 $0x1  }
0xbf: {  	_ =	sfence.sel $0xFFFF  }
0xc0: {  	[dreg:$0x0] =	wrdreg $0xFFFFFFFF;
	(pc) =	sbr.abs _section_cstart, $3  }
0xc1: {  	[dreg:$0x1] =	wrdreg $0xFFFFFFFF  }
0xc2: {  	_ =	task.clear_ibuf [dreg:s7], $0x2FFFF;
	_ =	strace $0x9FFFFFFF  }
0xc3: {  	(tm) =	ssettm $0x7FFFFFFF  }
tec
execute0_lowered:
.L_overlay_start_1:
0x0: {  	(tag) =	ssettag $0x1  }
0x1: {  	s0 =	srdreg.scid  }
0x2: {  	s16 =	stileid.u32;
	s1 =	rddreg [dreg:$0x0]  }
0x3: {  	s8 =	rddreg [dreg:$0x1];
	s3 =	simm.s32 $0x0;
	s0 =	sand.u32 $0x1, s0  }
0x4: {  	s2 =	sshll.u32 s16, $0x1;
	s7 =	smul.u32 $0x7800, s16;
	[smem:$0x7FF] =	sst s3  }
0x5: {  	s4 =	sadd.s32 $0xBE00, s1;
	s15 =	smul.u32 $0x1388, s16;
	s29 =	sshll.u32 s16, $0x6  }
0x6: {  	s16 =	simm.s32 $0x80;
	s5 =	sor.u32 s0, s2;
	s9 =	smul.u32 $0x78000, s0  }
0x7: {  	s2 =	rddreg [dreg:$0x2];
	s23 =	ssub.s32 $0x2, s0;
	s0 =	smul.u32 $0x9C4, s0  }
0x8: {  	_ =	strace $0x8000004D;
	s6 =	smul.u32 $0x9C4, s5;
	s12 =	sshrl.u32 s7, $0x3  }
0x9: {  	s13 =	sshrl.u32 s23, $0x1;
	p0 =	seq.s32 s5, $0x1F;
	s26 =	sadd.s32 s7, s2  }
0xa: {  	s9 =	sadd.s32 s7, s9;
	s12 =	sadd.s32 s12, s1;
	s13 =	ssub.s32 s23, s13  }
0xb: {  	s0 =	sadd.s32 s0, s15;
	s7 =	sor.u32 $0x1C19, s29;
	s15 =	simm.s32 $0x19  }
0xc: {  	s10 =	sshrl.u32 s6, $0x1;
	s9 =	sshrl.u32 s9, $0x3;
	s14 =	sadd.s32 $0x9C4, s6  }
0xd: {  	s6 =	sshrl.u32 s6, $0x5;
	s0 =	sshrl.u32 s0, $0x5;
	s28 =	sadd.s32 $0x1AE00, s12  }
0xe: {  	s10 =	sand.u32 $0xFF80, s10;
	s24 =	sshrl.u32 s14, $0x5;
	s25 =	sand.u32 $0xFF8, s6  }
0xf: {  	[dreg:$0x4] =	wrdreg s28;
	s0 =	sand.u32 $0x1FF8, s0;
	s14 =	sshrl.u32 s26, $0x3  }
0x10: {  	s11 =	sadd.s32 s10, s1;
	s1 =	sadd.s32 s9, s1;
	s9 =	sand.u32 $0x1FF8, s24  }
0x11: {  	s26 =	simm.s32 $0x0;
	s30 =	sadd.s32 s8, s10;
	s9 =	simm.s32 @p0 $0x9C4  }
0x12: {  	[dreg:$0x5] =	wrdreg s30;
	s31 =	sadd.s32 $0x2000, s11;
	s1 =	sadd.s32 $0x29E00, s1  }
.Ltmp0:
0x13: {  	s5 =	ssub.s32 s9, s25;
	s0 =	ssub.s32 s9, s0;
	(pc) =	sbr.rel .LBB2_1-.Ltmp0, $4  }
0x14: {  	[dreg:$0x6] =	wrdreg s31;
	p0 =	sgt.s32 s5, $0xC;
	s12 =	smov.u32 s5  }
0x15: {  	[dreg:$0x7] =	wrdreg s1;
	s12 =	simm.s32 @!p0 $0xC;
	p0 =	sgt.s32 s0, $0xC  }
0x16: {  	s10 =	sadd.s32 $0xFFFFFFF4, s12;
	s0 =	simm.s32 @!p0 $0xC;
	s12 =	smax.u32 s13, $0x1  }
0x17: {  	p0 =	slt.s32 s5, $0x1;
	s13 =	sor.u32 $0x1, s0;
	p1 =	sge.s32 s10, s5  }
.LBB2_7:
0x18: {  	s0 =	smov.u32 s13  }
.LBB2_10:
0x19: {  	s1 =	smul.u32 $0xFFFFFFD0, s18;
	_ =	sdelay $0x1  }
0x1a: {  	s1 =	sshra.s32 s1, $0x2  }
0x1b: {  	[sflag:s17] =	ssyncadd.s32 @p2 $0xFFFFE800;
	s0 =	sadd.s32 s1, s0  }
0x1c: {  	_ =	swait.ge [sflag:s0], $0x1800  }
0x1d: {  	[sflag:s0] =	ssyncset.done $0x0  }
0x1e: {  	[sflag:s0] =	ssyncadd.s32 $0xFFFFE800  }
.LBB2_11:
0x1f: {  	s26 =	sadd.s32 $0x1, s26  }
0x20: {  	[bflag:$0x0] =	sbarrier.arrive $0xFFFF;
	p2 =	sne.s32 s26, s12  }
.Ltmp1:
0x21: {  	s0 =	rddreg [dreg:$0x7];
	(pc) =	sbr.rel @!p2 .LBB2_12-.Ltmp1, $4  }
0x22: {  	[hbm:s0], [sflag:s7] =	dma.local [spmem:s14], $0xF00  }
0x23: {  	_ =	swait.ge [sflag:s15], $0xF00  }
0x24: {  	[sflag:s15] =	ssyncset.done $0x0  }
0x25: {  	[sflag:s15] =	ssyncadd.s32 $0xFFFFF100  }
.LBB2_1:
0x26: {  	s0 =	rddreg [dreg:$0x4]  }
0x27: {  	[spmem:s14], [sflag:s7] =	dma.local [hbm:s0], $0xF00  }
0x28: {  	_ =	swait.ge [sflag:s15], $0xF00  }
0x29: {  	[sflag:s15] =	ssyncset.done $0x0  }
0x2a: {  	s19 =	rddreg [dreg:$0x5];
	[sflag:s15] =	ssyncadd.s32 $0xFFFFF100  }
0x2b: {  	[tilespmem:s3], [sflag:$0x19] =	stream.linear.gather [hbm4b:s19+s3], $0x2C00, $0x38;
	[tilespmem:$0x1F000] =	vst v63  }
0x2c: {  	_ =	swait.ge [sflag:s15], $0x2C00  }
0x2d: {  	[sflag:s15] =	ssyncset.done $0x0  }
0x2e: {  	s18 =	simm.s32 $0x2C00;
	s20 =	rddreg [dreg:$0x6];
	[sflag:s15] =	ssyncadd.s32 $0xFFFFD400  }
0x2f: {  	[tilespmem:s18], [sflag:$0x19] =	stream.linear.gather [hbm4b:s20+s3], $0x2C00, $0x38;
	[tilespmem:$0x1F000] =	vst v63  }
0x30: {  	_ =	swait.ge [sflag:s15], $0x2C00  }
0x31: {  	[sflag:s15] =	ssyncset.done $0x0  }
0x32: {  	[sflag:s15] =	ssyncadd.s32 $0xFFFFD400  }
0x33: {  	s21 =	simm.s32 $0x5800;
	[bflag:$0x0] =	sbarrier.arrive $0xFFFF  }
0x34: {  	[tilespmem:s21], [sflag:$0x1] =	stream.indirect.gather [hbm4b:s4+s16], $0x30, s3, s16, $0xb8;
	[tilespmem:$0x1F000] =	vst v63  }
0x35: {  	s22 =	simm.s32 $0x7000  }
0x36: {  	[tilespmem:s22], [sflag:$0x2] =	stream.indirect.gather [hbm4b:s4+s16], $0x30, s16, s16, $0xb8;
	[tilespmem:$0x1F000] =	vst v63  }
0x37: {  	s23 =	simm.s32 $0x100;
	s1 =	simm.s32 $0x8800  }
0x38: {  	[tilespmem:s1], [sflag:$0x3] =	stream.indirect.gather [hbm4b:s4+s16], $0x30, s23, s16, $0xb8;
	[tilespmem:$0x1F000] =	vst v63  }
0x39: {  	s24 =	simm.s32 $0x180;
	s25 =	simm.s32 $0xA000  }
0x3a: {  	[tilespmem:s25], [sflag:$0x4] =	stream.indirect.gather [hbm4b:s4+s16], $0x30, s24, s16, $0xb8;
	[tilespmem:$0x1F000] =	vst v63  }
.Ltmp2:
0x3b: {  	_ = 	snop;
	(pc) =	sbr.rel @p0 .LBB2_5-.Ltmp2, $4  }
0x3c: {  	s28 =	simm.s32 $0x200;
	s29 =	simm.s32 $0xB800  }
0x3d: {  	[tilespmem:s29], [sflag:$0x5] =	stream.indirect.gather [hbm4b:s4+s16], $0x30, s28, s16, $0xb8;
	[tilespmem:$0x1F000] =	vst v63  }
0x3e: {  	s30 =	simm.s32 $0x280;
	s31 =	simm.s32 $0xD000  }
0x3f: {  	[tilespmem:s31], [sflag:$0x6] =	stream.indirect.gather [hbm4b:s4+s16], $0x30, s30, s16, $0xb8;
	[tilespmem:$0x1F000] =	vst v63  }
0x40: {  	s0 =	simm.s32 $0x6;
	s1 =	smulhi.u32 $0xAAAAAAAB, s3;
	s30 =	simm.s32 $0x300  }
0x41: {  	s28 =	simm.s32 $0x1;
	p3 =	sgt.s32 s5, $0x1;
	s29 =	simm.s32 $0x7000  }
0x42: {  	p2 =	sle.s32 s5, $0x6;
	s17 =	smulhi.u32 $0xAAAAAAAB, s0;
	s19 =	sshrl.u32 s1, $0x3  }
0x43: {  	s31 =	simm.s32 $0x10000;
	p4 =	por @!p2 $0x1, $0x1;
	s20 =	smul.u32 $0xFFFFFFD0, s19  }
0x44: {  	s0 =	simm.s32 $0x2C80;
	s1 =	simm.s32 $0x380;
	p4 =	por p4, p2  }
0x45: {  	s21 =	sshrl.u32 s17, $0x3;
	s19 =	smul.u32 $0xFFFB8000, s19;
	s20 =	sshra.s32 s20, $0x2  }
0x46: {  	s17 =	simm.s32 $0x4;
	s22 =	smul.u32 $0xFFFFFFD0, s21;
	s20 =	sadd.s32 $0x0, s20  }
0x47: {  	s21 =	smul.u32 $0xFFFB8000, s21;
	s19 =	sshra.s32 s19, $0x2;
	s23 =	sadd.s32 $0x1, s20  }
0x48: {  	s22 =	sshra.s32 s22, $0x2;
	s19 =	sadd.s32 $0x5800, s19;
	_ =	swait.ge [sflag:s23], $0x1800  }
0x49: {  	s24 =	sadd.s32 $0x13, s22;
	s20 =	sadd.s32 $0xD, s20;
	[sflag:s23] =	ssyncset.done $0x0  }
.Ltmp3:
0x4a: {  	s24 =	sadd.s32 @!p4 $0x0, s24;
	[sflag:s23] =	ssyncadd.s32 $0xFFFFE800;
	(pc) =	sbr.rel @!p3 .LBB2_4-.Ltmp3, $4  }
0x4b: {  	[spmem:s2] =	stream.indirect.scatter.add.f32 [tilespmem:s19], [sflag:s20], $0x30, s18, s16, $0xb8;
	[tilespmem:$0x1F000] =	vst v63  }
0x4c: {  	s25 =	sshra.s32 s21, $0x2;
	s21 =	sadd.s32 $0x7, s22;
	_ =	swait.ge @!p4 [sflag:s24], $0x1800  }
0x4d: {  	s21 =	sadd.s32 @!p2 $0x0, s21;
	s18 =	simm.s32 $0x7;
	[sflag:s24] =	ssyncset.done @!p4 $0x0  }
0x4e: {  	s19 =	simm.s32 @!p2 $0x80;
	s20 =	sadd.s32 $0xE800, s25;
	[sflag:s24] =	ssyncadd.s32 @!p4 $0xFFFFE800  }
.LBB2_3:
0x4f: {  	[tilespmem:s20], [sflag:s21] =	stream.indirect.gather @!p2 [hbm4b:s4+s19], $0x30, s30, s19, $0xb8;
	[tilespmem:$0x1F000] =	vst v63  }
0x50: {  	s19 =	smov.u32 s28;
	s20 =	smov.u32 s29;
	s21 =	smov.u32 s31  }
0x51: {  	s28 =	sadd.s32 $0x1, s28;
	s30 =	smov.u32 s1;
	s22 =	smov.u32 s0  }
0x52: {  	s23 =	smov.u32 s17;
	p3 =	slt.s32 s28, s5  }
0x53: {  	s29 =	sadd.s32 $0x1800, s29;
	s31 =	sadd.s32 $0x1800, s31;
	s24 =	smulhi.u32 $0xAAAAAAAB, s19  }
0x54: {  	s1 =	sadd.s32 $0x80, s1;
	s0 =	sadd.s32 $0x80, s0;
	s25 =	smulhi.u32 $0xAAAAAAAB, s18  }
0x55: {  	s17 =	sadd.s32 $0x4, s17;
	s18 =	sadd.s32 $0x1, s18;
	s24 =	sshrl.u32 s24, $0x3  }
0x56: {  	s8 =	sshra.s32 s23, $0x2;
	s9 =	sadd.s32 $0x6, s19;
	s6 =	smul.u32 $0xFFFFFFD0, s24  }
0x57: {  	s25 =	sshrl.u32 s25, $0x3;
	p2 =	sge.s32 s9, s5;
	s24 =	smul.u32 $0xFFFB8000, s24  }
0x58: {  	s11 =	smul.u32 $0xFFFFFFD0, s25;
	p4 =	slt.u32 @!p2 s19, $0x6;
	s6 =	sshra.s32 s6, $0x2  }
0x59: {  	s9 =	smul.u32 $0xFFFB8000, s25;
	p4 =	por p4, p2;
	s6 =	sadd.s32 s8, s6  }
0x5a: {  	s25 =	sshra.s32 @!p4 s23, $0x2;
	s8 =	sshra.s32 s11, $0x2;
	s11 =	sadd.s32 $0x1, s6  }
0x5b: {  	s24 =	sshra.s32 s24, $0x2;
	s19 =	sadd.s32 $0x13, s8;
	_ =	swait.ge [sflag:s11], $0x1800  }
0x5c: {  	s6 =	sadd.s32 $0xD, s6;
	s25 =	sadd.s32 @!p4 s25, s19;
	[sflag:s11] =	ssyncset.done $0x0  }
.Ltmp4:
0x5d: {  	s19 =	sadd.s32 s24, s20;
	[sflag:s11] =	ssyncadd.s32 $0xFFFFE800;
	(pc) =	sbr.rel @p3 .LBB2_3-.Ltmp4, $4  }
0x5e: {  	[spmem:s2] =	stream.indirect.scatter.add.f32 [tilespmem:s19], [sflag:s6], $0x30, s22, s16, $0xb8;
	[tilespmem:$0x1F000] =	vst v63  }
0x5f: {  	s6 =	sshra.s32 s9, $0x2;
	s19 =	simm.s32 @!p2 $0x80;
	_ =	swait.ge @!p4 [sflag:s25], $0x1800  }
0x60: {  	s8 =	sadd.s32 $0x7, s8;
	s9 =	sshra.s32 @!p2 s23, $0x2;
	[sflag:s25] =	ssyncset.done @!p4 $0x0  }
0x61: {  	s20 =	sadd.s32 s6, s21;
	s21 =	sadd.s32 @!p2 s9, s8;
	[sflag:s25] =	ssyncadd.s32 @!p4 $0xFFFFE800  }
.LBB2_4:
0x62: {  	[tilespmem:s20], [sflag:s21] =	stream.indirect.gather @!p2 [hbm4b:s4+s19], $0x30, s30, s19, $0xb8;
	[tilespmem:$0x1F000] =	vst v63  }
.LBB2_5:
.Ltmp5:
0x63: {  	(pc) =	sbr.rel @p1 .LBB2_11-.Ltmp5, $1  }
0x64: {  	_ =	sdelay $0x3  }
0x65: {  	s0 =	sadd.s32 $0x1, s10  }
0x66: {  	p3 =	slt.s32 s0, s5  }
.Ltmp6:
0x67: {  	_ = 	snop;
	(pc) =	sbr.rel @!p3 .LBB2_7-.Ltmp6, $3  }
0x68: {  	_ = 	snop  }
0x69: {  	s1 =	smulhi.u32 $0xAAAAAAAB, s10;
	_ =	sdelay $0x1  }
0x6a: {  	p2 =	por $0x0, $0x0;
	s18 =	sshrl.u32 s1, $0x3  }
0x6b: {  	s1 =	smul.u32 $0xFFFFFFD0, s18;
	_ =	sdelay $0x1  }
0x6c: {  	s6 =	sshra.s32 s1, $0x2;
	s1 =	sadd.s32 $0x1, s0  }
0x6d: {  	p3 =	slt.s32 s1, s5  }
.Ltmp7:
0x6e: {  	_ = 	snop;
	(pc) =	sbr.rel @!p3 .LBB2_10-.Ltmp7, $4  }
0x6f: {  	_ = 	snop  }
0x70: {  	s8 =	smulhi.u32 $0xAAAAAAAB, s0;
	s17 =	sadd.s32 s6, s13  }
0x71: {  	p2 =	por $0x1, $0x1;
	_ =	swait.ge [sflag:s17], $0x1800  }
0x72: {  	s18 =	sshrl.u32 s8, $0x3;
	s0 =	sadd.s32 $0x1, s13;
	[sflag:s17] =	ssyncset.done $0x0  }
.LBB2_9:
0x73: {  	s8 =	smov.u32 s1;
	s1 =	sadd.s32 $0x1, s1  }
0x74: {  	s6 =	smul.u32 $0xFFFFFFD0, s18;
	[sflag:s17] =	ssyncadd.s32 $0xFFFFE800;
	p3 =	slt.s32 s1, s5  }
.Ltmp8:
0x75: {  	(pc) =	sbr.rel @p3 .LBB2_9-.Ltmp8, $4  }
0x76: {  	s6 =	sshra.s32 s6, $0x2  }
0x77: {  	s8 =	smulhi.u32 $0xAAAAAAAB, s8;
	s17 =	sadd.s32 s6, s0  }
0x78: {  	_ =	swait.ge [sflag:s17], $0x1800  }
0x79: {  	s18 =	sshrl.u32 s8, $0x3;
	s0 =	sadd.s32 $0x1, s0;
	[sflag:s17] =	ssyncset.done $0x0  }
.Ltmp9:
0x7a: {  	_ = 	snop;
	(pc) =	sbr.rel .LBB2_10-.Ltmp9, $1  }
0x7b: {  	_ =	sdelay $0x3  }
.LBB2_12:
0x7c: {  	_ =	sfence.sel $0x180000  }
0x7d: {  	[bflag:$0x0] =	sbarrier.arrive $0xFFFF  }
0x7e: {  	_ =	strace $0x9000004D  }
0x7f: {  	s0 =	stileid.u32;
	[bflag:$0x2] =	sbarrier.arrive $0xFFFF  }
0x80: {  	p0 =	sne.s32 s0, $0x0;
	s0 =	rddreg [dreg:$0x3]  }
0x81: {  	s0 =	sadd.s32 @!p0 $0x100000, s0  }
0x82: {  	[sflag:s0] =	ssyncadd.tile.s32 @!p0 $0x1;
	_ =	shalt  }
.Lfunc_end2:
_tile_overlayer_lowered:
.L_overlay_start_2:
0x83: {  	(tag) =	ssettag $0x2  }
0x84: {  	s0 =	rddreg [dreg:$0x0];
	s2 =	stileid.u32  }
0x85: {  	s1 =	rddreg [dreg:$0x1];
	p0 =	sne.s32 s2, $0x0  }
0x86: {  	s3 =	rddreg [dreg:$0x2];
	[bflag:$0x3] =	sbarrier.arrive $0xFFFF;
	s2 =	simm.s32 @!p0 $0x1C19  }
0x87: {  	[timem:s3], [sflag:s2] =	dma.local @!p0 [hbm:s0], s1  }
0x88: {  	s0 =	simm.s32 @!p0 $0x19  }
0x89: {  	_ =	swait.ge @!p0 [sflag:s0], s1  }
0x8a: {  	s1 =	ssub.s32 @!p0 $0x0, s1;
	[sflag:s0] =	ssyncset.done @!p0 $0x0  }
0x8b: {  	[sflag:s0] =	ssyncadd.s32 @!p0 s1  }
0x8c: {  	[bflag:$0x3] =	sbarrier.arrive $0xFFFF  }
0x8d: {  	_ =	shalt  }

// kernel: kernel.9.cloned.1.call-start
scs
__scs_entry_jumppad:
0x0: {  	(pc) =	sbr.rel $0x88, $3  }
0x1: {  	(tag) =	ssettag $0x0;
	lr =	simm.s32 $0x1  }
0x2: {  	[smem:$0x3F9B] =	sst lr;
	_ =	strace $0xD0000000  }
0x3: {  	_ = 	snop  }
0x4: {  	_ = 	snop  }
0x5: {  	_ = 	snop  }
0x6: {  	_ = 	snop  }
0x7: {  	_ = 	snop  }
__scs_overlays_trampoline_lowered:
0x8: {  	[smem:$0x3FAA] =	sst s0  }
0x9: {  	[smem:$0x3FAB] =	sst s1  }
0xa: {  	[smem:$0x3FAC] =	sst s2  }
0xb: {  	[smem:$0x3FAD] =	sst s3  }
0xc: {  	[smem:$0x3FAE] =	sst s4  }
0xd: {  	[smem:$0x3FAF] =	sst s5  }
0xe: {  	[smem:$0x3FB0] =	sst s6  }
0xf: {  	[smem:$0x3FB1] =	sst s7  }
0x10: {  	[smem:$0x3FB2] =	sst s8  }
0x11: {  	[smem:$0x3FB3] =	sst s9;
	s0 =	simm.s32 @!p0 $0x0  }
0x12: {  	s1 =	sld [smem:$0x3F99];
	s0 =	simm.s32 @p0 $0x1  }
0x13: {  	[smem:$0x3FB4] =	sst s0;
	s0 =	simm.s32 @!p1 $0x0  }
0x14: {  	s2 =	sld [smem:$0x3F98];
	s0 =	simm.s32 @p1 $0x1  }
0x15: {  	[smem:$0x3FB5] =	sst s0;
	s0 =	simm.s32 @!p2 $0x0  }
0x16: {  	s3 =	sld [smem:$0x3FDB];
	s0 =	simm.s32 @p2 $0x1  }
0x17: {  	s4 =	simm.s32 $0x1BF5;
	[smem:$0x3FB7] =	sst s0  }
0x18: {  	s0 =	sld [smem:$0x3F9A];
	_ =	swait.ge [sflag:s4], $0x0  }
0x19: {  	s7 =	sld [smem:$0x3F9B]  }
0x1a: {  	s8 =	sadd.s32 $0xFFFFE003, lr  }
0x1b: {  	s9 =	sadd.s32 $0xFFFFFEF7, lr;
	s5 =	simm.s32 $0xFFFFFFFF;
	p2 =	slt.u32 s8, $0xFFFFF086  }
0x1c: {  	p1 =	slt.u32 s9, $0xF7A;
	s5 =	simm.s32 @!p2 $0x0  }
0x1d: {  	s5 =	simm.s32 @p1 $0x1;
	p0 =	seq.s32 s7, s2  }
0x1e: {  	s7 =	smul.u32 @!p0 $0xF7A, s2;
	p2 =	seq.s32 @!p0 s5, $0x0  }
0x1f: {  	s9 =	smul.u32 $0xF7A, s1;
	s8 =	simm.s32 @!p0 $0x1BF5;
	p2 =	por !p2, p0  }
0x20: {  	[sflag:s8] =	ssyncset.s32 @!p0 $0xFFFFF086;
	s6 =	sadd.s32 @!p0 s3, s7;
	s7 =	simm.s32 @!p0 $0x108  }
0x21: {  	s3 =	sadd.s32 s3, s9;
	s6 =	sadd.s32 @!p0 $0x88, s6;
	s7 =	simm.s32 @p2 $0x1082  }
0x22: {  	[simem:s7], [sflag:s8] =	dma.local @!p0 [hbm:s6], $0xF7A  }
0x23: {  	s9 =	sor.u32 $0xD0000000, s2;
	s6 =	simm.s32 $0x108;
	_ =	swait.ge @!p0 [sflag:s8], $0x0  }
0x24: {  	s3 =	sadd.s32 $0x88, s3;
	s6 =	simm.s32 @!p1 $0x1082;
	[sflag:s4] =	ssyncset.s32 $0xFFFFF086  }
0x25: {  	[simem:s6], [sflag:s4] =	dma.local [hbm:s3], $0xF7A  }
0x26: {  	[smem:$0x3F9B] =	sst s1;
	(tag) =	ssettag s2;
	_ =	strace s9  }
0x27: {  	s1 =	sld [smem:$0x3FAB]  }
0x28: {  	s2 =	sld [smem:$0x3FAC]  }
0x29: {  	s4 =	sld [smem:$0x3FAE]  }
0x2a: {  	p0 =	seq.s32 s5, $0x0;
	s5 =	sld [smem:$0x3FAF]  }
0x2b: {  	s6 =	sld [smem:$0x3FB0]  }
0x2c: {  	s7 =	sld [smem:$0x3FB1]  }
0x2d: {  	s3 =	simm.s32 $0x108;
	s8 =	sld [smem:$0x3FB2]  }
0x2e: {  	s3 =	simm.s32 @!p0 $0x1082;
	s9 =	sld [smem:$0x3FB3]  }
0x2f: {  	lr =	sadd.s32 s0, s3;
	s0 =	sld [smem:$0x3FAA]  }
0x30: {  	s3 =	sld [smem:$0x3FAD]  }
0x31: {  	[smem:$0x3FB6] =	sst s10  }
0x32: {  	s10 =	sld [smem:$0x3FB4];
	_ =	sdelay $0x3  }
0x33: {  	p0 =	seq.s32 s10, $0x1;
	s10 =	sld [smem:$0x3FB6];
	_ =	sdelay $0x3  }
0x34: {  	[smem:$0x3FB6] =	sst s10  }
0x35: {  	s10 =	sld [smem:$0x3FB5];
	_ =	sdelay $0x3  }
0x36: {  	p1 =	seq.s32 s10, $0x1;
	s10 =	sld [smem:$0x3FB6];
	_ =	sdelay $0x3  }
0x37: {  	[smem:$0x3FB6] =	sst s10  }
0x38: {  	s10 =	sld [smem:$0x3FB7]  }
0x39: {  	_ = 	snop;
	(pc) =	sbr.ind lr, $3  }
0x3a: {  	_ = 	snop  }
0x3b: {  	_ = 	snop  }
0x3c: {  	p2 =	seq.s32 s10, $0x1;
	s10 =	sld [smem:$0x3FB6]  }
0x3d: {  	_ =	shalt  }
0x3e: {  	_ =	shalt  }
0x3f: {  	_ =	shalt  }
0x40: {  	_ =	shalt  }
0x41: {  	_ =	shalt  }
0x42: {  	_ =	shalt  }
0x43: {  	_ =	shalt  }
0x44: {  	_ =	shalt  }
0x45: {  	_ =	shalt  }
0x46: {  	_ =	shalt  }
0x47: {  	_ =	shalt  }
0x48: {  	_ =	shalt  }
0x49: {  	_ =	shalt  }
0x4a: {  	_ =	shalt  }
0x4b: {  	_ =	shalt  }
0x4c: {  	_ =	shalt  }
0x4d: {  	_ =	shalt  }
0x4e: {  	_ =	shalt  }
0x4f: {  	_ =	shalt  }
0x50: {  	_ =	shalt  }
0x51: {  	_ =	shalt  }
0x52: {  	_ =	shalt  }
0x53: {  	_ =	shalt  }
0x54: {  	_ =	shalt  }
0x55: {  	_ =	shalt  }
0x56: {  	_ =	shalt  }
0x57: {  	_ =	shalt  }
0x58: {  	_ =	shalt  }
0x59: {  	_ =	shalt  }
0x5a: {  	_ =	shalt  }
0x5b: {  	_ =	shalt  }
0x5c: {  	_ =	shalt  }
0x5d: {  	_ =	shalt  }
0x5e: {  	_ =	shalt  }
0x5f: {  	_ =	shalt  }
0x60: {  	_ =	shalt  }
0x61: {  	_ =	shalt  }
0x62: {  	_ =	shalt  }
0x63: {  	_ =	shalt  }
0x64: {  	_ =	shalt  }
0x65: {  	_ =	shalt  }
0x66: {  	_ =	shalt  }
0x67: {  	_ =	shalt  }
0x68: {  	_ =	shalt  }
0x69: {  	_ =	shalt  }
0x6a: {  	_ =	shalt  }
0x6b: {  	_ =	shalt  }
0x6c: {  	_ =	shalt  }
0x6d: {  	_ =	shalt  }
0x6e: {  	_ =	shalt  }
0x6f: {  	_ =	shalt  }
0x70: {  	_ =	shalt  }
0x71: {  	_ =	shalt  }
0x72: {  	_ =	shalt  }
0x73: {  	_ =	shalt  }
0x74: {  	_ =	shalt  }
0x75: {  	_ =	shalt  }
0x76: {  	_ =	shalt  }
0x77: {  	_ =	shalt  }
0x78: {  	_ =	shalt  }
0x79: {  	_ =	shalt  }
0x7a: {  	_ =	shalt  }
0x7b: {  	_ =	shalt  }
0x7c: {  	_ =	shalt  }
0x7d: {  	_ =	shalt  }
0x7e: {  	_ =	shalt  }
0x7f: {  	_ =	shalt  }
0x80: {  	_ =	shalt  }
0x81: {  	_ =	shalt  }
0x82: {  	_ =	shalt  }
0x83: {  	_ =	shalt  }
0x84: {  	_ =	shalt  }
0x85: {  	_ =	shalt  }
0x86: {  	_ =	shalt  }
0x87: {  	_ =	shalt  }
.Lfunc_end0:
.L_simem_size_0:
called_computation_lowered:
.L_overlay_start_0:
0x88: {  	s2 =	sld [smem:$0x3FD9]  }
0x89: {  	s3 =	sld [smem:$0x3FFE];
	_ =	sdelay $0x1  }
0x8a: {  	s1 =	srdreg.scid  }
0x8b: {  	s0 =	sand.u32 $0x1, s1  }
0x8c: {  	s16 =	sshll.u32 s0, $0xA;
	s2 =	sadd.s32 s3, s2  }
0x8d: {  	s2 =	sadd.s32 s2, s16  }
0x8e: {  	[smem:$0x3FC2] =	sst s2  }
0x8f: {  	_ = 	snop  }
0x90: {  	(tm) =	ssettm $0x1  }
0x91: {  	s17 =	sld [smem:$0x3FFB];
	_ =	sdelay $0x3  }
0x92: {  	_ =	strace s17  }
0x93: {  	s2 =	sld [smem:$0x3FFC];
	_ =	sdelay $0x3  }
0x94: {  	_ =	strace s2  }
0x95: {  	s2 =	sld [smem:$0x3FFD];
	_ =	sdelay $0x3  }
0x96: {  	_ =	strace s2  }
0x97: {  	_ =	strace $0x8FFFFFFF  }
0x98: {  	s18 =	sld [smem:$0x3FDB];
	_ =	sdelay $0x1  }
0x99: {  	s19 =	simm.s32 $_scs_section_size  }
0x9a: {  	s4 =	simm.s32 $_size__tile_overlayer_lowered;
	s5 =	simm.s32 $_tile_overlayer_lowered  }
0x9b: {  	s22 =	simm.s32 $0x1BFF;
	s21 =	sshll.u32 s5, $0x1;
	s2 =	sadd.s32 s19, s18  }
0x9c: {  	s6 =	simm.s32 $0x0;
	s20 =	sshll.u32 s4, $0x1;
	s4 =	sadd.s32 s21, s2  }
0x9d: {  	[timem:s6], [sflag:s22] =	dma.local [hbm:s4], s20  }
0x9e: {  	_ =	swait.ge [sflag:s22], s20  }
0x9f: {  	s3 =	ssub.s32 $0x0, s20;
	[sflag:s22] =	ssyncset.done $0x0  }
0xa0: {  	[sflag:s22] =	ssyncadd.s32 s3;
	_ =	sdelay $0x1  }
0xa1: {  	s23 =	simm.s32 $0x1B8B  }
0xa2: {  	_ =	swait.ge [sflag:s23], $0x1  }
0xa3: {  	[sflag:s23] =	ssyncset.done $0x0  }
0xa4: {  	s25 =	simm.s32 $0x1B8E;
	s24 =	sld [smem:$0x3FFE];
	[sflag:s23] =	ssyncadd.s32 $0xFFFFFFFF  }
0xa5: {  	s26 =	simm.s32 $execute0_lowered;
	[smem:$0x3FD2] =	sst s25  }
0xa6: {  	s4 =	sshll.u32 s26, $0x1;
	_ =	strace $0x80000046;
	[dreg:$0x1] =	wrdreg $0xFFFFFFFF  }
0xa7: {  	s28 =	simm.s32 $_size_execute0_lowered;
	s2 =	sadd.s32 s2, s4;
	[dreg:$0x0] =	wrdreg $0x0  }
0xa8: {  	s4 =	sshll.u32 s28, $0x1;
	[dreg:$0x2] =	wrdreg s2  }
0xa9: {  	[dreg:$0x3] =	wrdreg s4  }
0xaa: {  	[dreg:$0x4] =	wrdreg $0xC0  }
0xab: {  	_ =	task [dreg:s6], $0x5FFFF  }
0xac: {  	[dreg:$0x1] =	wrdreg $0xFFFFFFFF  }
0xad: {  	[dreg:$0x0] =	wrdreg $0x60  }
0xae: {  	[dreg:$0x2] =	wrdreg s24  }
0xaf: {  	[dreg:$0x3] =	wrdreg $0x2C800  }
0xb0: {  	[dreg:$0x4] =	wrdreg $0x9  }
0xb1: {  	_ =	task.clear_ibuf [dreg:s6], $0x5FFFF;
	_ =	strace $0x90000046  }
0xb2: {  	s29 =	simm.s32 $0x9;
	_ =	strace $0x80000048  }
0xb3: {  	_ =	swait.ge [sflag:s29], $0x1  }
0xb4: {  	[sflag:s29] =	ssyncadd.s32 $0xFFFFFFFF  }
0xb5: {  	_ =	strace $0x90000048  }
0xb6: {  	_ =	sfence  }
0xb7: {  	s30 =	sld [smem:$0x0];
	_ =	sdelay $0x2  }
0xb8: {  	s31 =	sshll.u32 s1, $0xD;
	s1 =	sshrl.u32 s1, $0x2  }
0xb9: {  	s3 =	sand.u32 $0x4000, s31;
	s1 =	sadd.s32 s1, s30  }
0xba: {  	s0 =	sor.u32 s3, s0;
	s1 =	sshll.u32 s1, $0x11  }
0xbb: {  	s0 =	sor.u32 s1, s0  }
0xbc: {  	s0 =	sadd.s32 $0x8F2B, s0  }
0xbd: {  	[sflag:s0] =	ssyncadd.remote.s32 $0x1  }
0xbe: {  	_ =	sfence.sel $0xFFFF  }
0xbf: {  	[dreg:$0x0] =	wrdreg $0xFFFFFFFF;
	(pc) =	sbr.abs _section_cstart, $3  }
0xc0: {  	[dreg:$0x1] =	wrdreg $0xFFFFFFFF  }
0xc1: {  	_ =	task.clear_ibuf [dreg:s6], $0x2FFFF;
	_ =	strace $0x9FFFFFFF  }
0xc2: {  	(tm) =	ssettm $0x7FFFFFFF  }
0xc3: {  	_ =	shalt  }
tec
execute0_lowered:
.L_overlay_start_1:
0x0: {  	(tag) =	ssettag $0x1  }
0x1: {  	s1 =	srdreg.scid;
	s5 =	rddreg [dreg:$0x0]  }
0x2: {  	s0 =	stileid.u32;
	s2 =	rddreg [dreg:$0x1];
	s3 =	simm.s32 $0x0  }
0x3: {  	s14 =	simm.s32 $0x0;
	s4 =	sand.u32 $0x1, s1;
	s1 =	rddreg [dreg:$0x2]  }
0x4: {  	s26 =	sshll.u32 s0, $0x1;
	s8 =	smul.u32 $0x280, s0;
	[smem:$0x7FF] =	sst s3  }
0x5: {  	s31 =	sshll.u32 s0, $0x6;
	s6 =	sor.u32 s4, s26;
	s10 =	smul.u32 $0x2800, s4  }
0x6: {  	_ =	strace $0x80000047;
	s4 =	ssub.s32 $0x2, s4;
	s7 =	smul.u32 $0x9C4, s6  }
0x7: {  	s11 =	sshrl.u32 s8, $0x3;
	p0 =	seq.s32 s6, $0x1F;
	s29 =	sshrl.u32 s4, $0x1  }
0x8: {  	s13 =	sadd.s32 s8, s2;
	s6 =	sor.u32 $0x1C01, s31;
	s10 =	sadd.s32 s8, s10  }
0x9: {  	s11 =	sadd.s32 s11, s5;
	s30 =	ssub.s32 s4, s29;
	s9 =	sshrl.u32 s7, $0x1  }
0xa: {  	s10 =	sshrl.u32 s10, $0x3;
	s12 =	sadd.s32 $0x9C4, s7;
	s7 =	sshrl.u32 s7, $0x5  }
0xb: {  	s9 =	sand.u32 $0xFF80, s9;
	s10 =	sadd.s32 s10, s5;
	s28 =	sshrl.u32 s12, $0x5  }
.Ltmp0:
0xc: {  	s7 =	sand.u32 $0xFF8, s7;
	s12 =	simm.s32 $0x80;
	(pc) =	sbr.rel .LBB2_1-.Ltmp0, $4  }
0xd: {  	s9 =	sadd.s32 s9, s5;
	s5 =	sand.u32 $0x1FF8, s28;
	s8 =	sadd.s32 $0xC400, s10  }
0xe: {  	s10 =	sshrl.u32 s13, $0x3;
	s13 =	simm.s32 $0x2C00;
	s5 =	simm.s32 @p0 $0x9C4  }
0xf: {  	s4 =	ssub.s32 s5, s7;
	s5 =	sadd.s32 $0xBE00, s11;
	s7 =	sadd.s32 $0x2000, s9  }
0x10: {  	v0 =	vimm.f32 $1.000000000e+00;
	s9 =	smax.u32 s30, $0x1;
	s11 =	simm.s32 $0x1;
	p0 =	slt.s32 s4, $0x1  }
.LBB2_4:
0x11: {  	[sflag:s11] =	ssyncadd.s32 $0xFFFFFF80  }
.LBB2_5:
0x12: {  	s14 =	sadd.s32 $0x1, s14  }
0x13: {  	p1 =	sne.s32 s14, s9  }
.Ltmp1:
0x14: {  	[bflag:$0x0] =	sbarrier.arrive $0xFFFF;
	(pc) =	sbr.rel @!p1 .LBB2_6-.Ltmp1, $4  }
0x15: {  	[hbm:s8], [sflag:s6] =	dma.local [spmem:s10], $0x50  }
0x16: {  	_ =	swait.ge [sflag:s11], $0x50  }
0x17: {  	[sflag:s11] =	ssyncset.done $0x0  }
0x18: {  	[sflag:s11] =	ssyncadd.s32 $0xFFFFFFB0  }
.LBB2_1:
0x19: {  	[tilespmem:$0x2C00] =	vst v0  }
0x1a: {  	[tilespmem:$0x2C10] =	vst v0  }
0x1b: {  	[tilespmem:$0x2C20] =	vst v0  }
0x1c: {  	[tilespmem:$0x2C30] =	vst v0  }
0x1d: {  	[tilespmem:$0x2C40] =	vst v0  }
0x1e: {  	[tilespmem:$0x2C50] =	vst v0  }
0x1f: {  	[tilespmem:$0x2C60] =	vst v0  }
0x20: {  	[tilespmem:$0x2C70] =	vst v0  }
0x21: {  	[spmem:s10], [sflag:s6] =	dma.local [hbm:s5], $0x50  }
0x22: {  	_ =	swait.ge [sflag:s11], $0x50  }
0x23: {  	[sflag:s11] =	ssyncset.done $0x0  }
0x24: {  	[sflag:s11] =	ssyncadd.s32 $0xFFFFFFB0  }
0x25: {  	[tilespmem:s3], [sflag:$0x1] =	stream.linear.gather [hbm4b:s7+s3], $0x2C00, $0x38;
	[tilespmem:$0x2F00] =	vst v63  }
.Ltmp2:
0x26: {  	_ =	swait.ge [sflag:s11], $0x2C00;
	(pc) =	sbr.rel @p0 .LBB2_5-.Ltmp2, $3  }
0x27: {  	[sflag:s11] =	ssyncset.done $0x0  }
0x28: {  	[sflag:s11] =	ssyncadd.s32 $0xFFFFD400  }
0x29: {  	[bflag:$0x0] =	sbarrier.arrive $0xFFFF;
	_ =	sdelay $0x1  }
0x2a: {  	s15 =	sadd.s32 $0x1, s3  }
0x2b: {  	p1 =	slt.s32 s15, s4  }
.Ltmp3:
0x2c: {  	_ = 	snop;
	(pc) =	sbr.rel @!p1 .LBB2_4-.Ltmp3, $4  }
0x2d: {  	_ = 	snop  }
0x2e: {  	[spmem:s2] =	stream.indirect.scatter.add.f32 [tilespmem:s13], [sflag:$0x1], $0x1, s3, s12, $0xb8;
	[tilespmem:$0x2F00] =	vst v63  }
0x2f: {  	_ =	swait.ge [sflag:s11], $0x80  }
0x30: {  	s16 =	simm.s32 $0x0;
	[sflag:s11] =	ssyncset.done $0x0  }
.LBB2_3:
0x31: {  	s15 =	sadd.s32 $0x1, s15  }
0x32: {  	[sflag:s11] =	ssyncadd.s32 $0xFFFFFF80;
	s16 =	sadd.s32 $0x80, s16;
	p1 =	slt.s32 s15, s4  }
.Ltmp4:
0x33: {  	(pc) =	sbr.rel @p1 .LBB2_3-.Ltmp4, $4  }
0x34: {  	_ = 	snop  }
0x35: {  	[spmem:s2] =	stream.indirect.scatter.add.f32 [tilespmem:s13], [sflag:$0x1], $0x1, s16, s12, $0xb8;
	[tilespmem:$0x2F00] =	vst v63  }
0x36: {  	_ =	swait.ge [sflag:s11], $0x80  }
0x37: {  	[sflag:s11] =	ssyncset.done $0x0  }
.Ltmp5:
0x38: {  	_ = 	snop;
	(pc) =	sbr.rel .LBB2_4-.Ltmp5, $1  }
0x39: {  	_ =	sdelay $0x3  }
.LBB2_6:
0x3a: {  	_ =	sfence.sel $0x180000  }
0x3b: {  	[bflag:$0x0] =	sbarrier.arrive $0xFFFF  }
0x3c: {  	p0 =	sne.s32 s0, $0x0;
	_ =	strace $0x90000047  }
0x3d: {  	s0 =	sadd.s32 @!p0 $0x100000, s1;
	[bflag:$0x2] =	sbarrier.arrive $0xFFFF  }
0x3e: {  	[sflag:s0] =	ssyncadd.tile.s32 @!p0 $0x1;
	_ =	shalt  }
.Lfunc_end2:
_tile_overlayer_lowered:
.L_overlay_start_2:
0x3f: {  	(tag) =	ssettag $0x2  }
0x40: {  	s0 =	rddreg [dreg:$0x0];
	s2 =	stileid.u32  }
0x41: {  	s1 =	rddreg [dreg:$0x1];
	p0 =	sne.s32 s2, $0x0  }
0x42: {  	s3 =	rddreg [dreg:$0x2];
	[bflag:$0x3] =	sbarrier.arrive $0xFFFF;
	s2 =	simm.s32 @!p0 $0x1C01  }
0x43: {  	[timem:s3], [sflag:s2] =	dma.local @!p0 [hbm:s0], s1  }
0x44: {  	s0 =	simm.s32 @!p0 $0x1  }
0x45: {  	_ =	swait.ge @!p0 [sflag:s0], s1  }
0x46: {  	s1 =	ssub.s32 @!p0 $0x0, s1;
	[sflag:s0] =	ssyncset.done @!p0 $0x0  }
0x47: {  	[sflag:s0] =	ssyncadd.s32 @!p0 s1  }
0x48: {  	[bflag:$0x3] =	sbarrier.arrive $0xFFFF  }
0x49: {  	_ =	shalt  }

</sc_bundles>
